<compile_context>
chip_gen: v7x
topology: tpu7x:2x2x1
jax: 0.10.2.dev20260603
libtpu: 0.0.44.dev20260713+nightly
codegen_flags: <defaults>
</compile_context>

<pallas_src>
import functools
import jax
import jax.numpy as jnp
from jax import lax
from jax.experimental import pallas as pl
from jax.experimental.pallas import tpu as pltpu
from jax.experimental.pallas import tpu_sc as plsc

_NC, _NS, _L = 1, 16, 16
_NW = _NC * _NS


def _sc_body(chunk, n, g,
             x_hbm, b_hbm, a_hbm, tab_hbm, out_hbm,
             x_v, b_v, a_v, tab_v, o_v, sem0, sem1, semo):
    wid = lax.axis_index("s") * _NC + lax.axis_index("c")
    base = lax.min(wid * chunk, n - chunk)
    half = chunk // 2

    def fire_inputs(off, size, sem):
        return [
            pltpu.async_copy(x_hbm.at[pl.ds(base + off, size)],
                             x_v.at[pl.ds(off, size)], sem),
            pltpu.async_copy(b_hbm.at[pl.ds(base + off, size)],
                             b_v.at[pl.ds(off, size)], sem),
            pltpu.async_copy(a_hbm.at[pl.ds(base + off, size)],
                             a_v.at[pl.ds(off, size)], sem),
        ]

    def compute(lo, hi):
        @plsc.parallel_loop(lo, hi, step=_L, unroll=8)
        def _(off):
            sl = pl.ds(off, _L)
            m = plsc.load_gather(tab_v, [b_v[sl]]).astype(jnp.int32)
            c = m * 16 + a_v[sl] + g
            sc = plsc.load_gather(tab_v, [c])
            sh = plsc.load_gather(tab_v, [c + 64])
            o_v[sl] = x_v[sl] * sc + sh

    cps0 = fire_inputs(0, half, sem0)
    cps0.append(pltpu.async_copy(tab_hbm, tab_v, sem0))
    cps1 = fire_inputs(half, half, sem1)
    for c in cps0:
        c.wait()
    compute(0, half)
    st0 = pltpu.async_copy(o_v.at[pl.ds(0, half)],
                           out_hbm.at[pl.ds(base, half)], semo)
    for c in cps1:
        c.wait()
    compute(half, chunk)
    st1 = pltpu.async_copy(o_v.at[pl.ds(half, half)],
                           out_hbm.at[pl.ds(base + half, half)], semo)
    st0.wait()
    st1.wait()


@jax.jit
def kernel(scaled_atomic_energy, batch, modal_type, atom_type, shift, scale):
    n = scaled_atomic_energy.shape[0]
    g = modal_type.shape[0]
    x = scaled_atomic_energy.reshape(-1).astype(jnp.float32)
    b = batch.astype(jnp.int32)
    a = atom_type.astype(jnp.int32)
    tab = jnp.concatenate([
        modal_type.astype(jnp.float32),
        scale.reshape(-1).astype(jnp.float32),
        shift.reshape(-1).astype(jnp.float32),
    ])

    chunk = -(-n // (_NW * _L * 8)) * (_L * 8)
    assert n % 8 == 0 and (_NW - 1) * chunk <= n and chunk <= n

    body = functools.partial(_sc_body, chunk, n, g)
    out = pl.kernel(
        body,
        out_type=jax.ShapeDtypeStruct((n,), jnp.float32),
        mesh=plsc.VectorSubcoreMesh(core_axis_name="c", subcore_axis_name="s",
                                    num_cores=_NC, num_subcores=_NS),
        scratch_types=[
            pltpu.VMEM((chunk,), jnp.float32),
            pltpu.VMEM((chunk,), jnp.int32),
            pltpu.VMEM((chunk,), jnp.int32),
            pltpu.VMEM((tab.shape[0],), jnp.float32),
            pltpu.VMEM((chunk,), jnp.float32),
            pltpu.SemaphoreType.DMA,
            pltpu.SemaphoreType.DMA,
            pltpu.SemaphoreType.DMA,
        ],
        compiler_params=pltpu.CompilerParams(needs_layout_passes=False),
    )(x, b, a, tab)
    return out.reshape(-1, 1)

# --- scband reference (transcript-rebuilt; emitter-appended) ---
"""Pipeline reference for scband-modal-wise-rescale-50749333570008 (READ-ONLY COPY).

The authoritative reference and input builder live on the scoring server;
editing this copy changes nothing except your own understanding.
"""

import jax, jax.numpy as jnp
import numpy as np

N = 100000  # atoms
G = 512     # graphs in batch
M = 4       # modalities
S = 16      # atom species


def setup_inputs(seed: int = 0) -> dict:
    key = jax.random.key(seed)
    k1, k2, k3, k4, k5, k6 = jax.random.split(key, 6)
    scaled_atomic_energy = jax.random.normal(k1, (N, 1), dtype=jnp.float32)
    batch = jnp.sort(jax.random.randint(k2, (N,), 0, G)).astype(jnp.int64)
    modal_type = jax.random.randint(k3, (G,), 0, M).astype(jnp.int64)
    atom_type = jax.random.randint(k4, (N,), 0, S).astype(jnp.int64)
    shift = (jax.random.normal(k5, (M, S), dtype=jnp.float32) * 0.1) - 3.0
    scale = 1.0 + jax.random.normal(k6, (M, S), dtype=jnp.float32) * 0.1
    return {
        "scaled_atomic_energy": scaled_atomic_energy,
        "batch": batch,
        "modal_type": modal_type,
        "atom_type": atom_type,
        "shift": shift,
        "scale": scale,
    }


def reference(scaled_atomic_energy, batch, modal_type, atom_type, shift, scale):
    # per-atom modal index: gather graph-level modal index through batch vector
    modal_indices = jnp.take(modal_type, batch, axis=0)
    # 2-D gather from (modal, species) tables
    sc = scale[modal_indices, atom_type].reshape(-1, 1)
    sh = shift[modal_indices, atom_type].reshape(-1, 1)
    atomic_energy = scaled_atomic_energy * sc + sh
    return atomic_energy

if __name__ == "__main__":
    import jax
    _d = setup_inputs()
    print(jax.jit(kernel)(*tuple(_d.values())))

</pallas_src>

<mosaic_0001>
#map = affine_map<(d0, d1) -> (0)>
module attributes {stable_mosaic.version = 14 : i64} {
  func.func @_sc_body(%arg0: i32, %arg1: i32, %arg2: memref<100000xf32, #tpu.memory_space<hbm>>, %arg3: memref<100000xi32, #tpu.memory_space<hbm>>, %arg4: memref<100000xi32, #tpu.memory_space<hbm>>, %arg5: memref<640xf32, #tpu.memory_space<hbm>>, %arg6: memref<100000xf32, #tpu.memory_space<hbm>>, %arg7: memref<6272xf32, #tpu.memory_space<vmem>>, %arg8: memref<6272xi32, #tpu.memory_space<vmem>>, %arg9: memref<6272xi32, #tpu.memory_space<vmem>>, %arg10: memref<640xf32, #tpu.memory_space<vmem>>, %arg11: memref<6272xf32, #tpu.memory_space<vmem>>, %arg12: memref<!tpu.dma_semaphore, #tpu.memory_space<semaphore_mem>>, %arg13: memref<!tpu.dma_semaphore, #tpu.memory_space<semaphore_mem>>, %arg14: memref<!tpu.dma_semaphore, #tpu.memory_space<semaphore_mem>>) attributes {dimension_semantics = [#tpu.dimension_semantics<core_parallel>, #tpu.dimension_semantics<subcore_parallel>], iteration_bounds = array<i64: 1, 16>, scalar_prefetch = 0 : i64, scratch_operands = 8 : i64, tpu.core_type = #tpu.core_type<sc_vector_subcore>, window_params = [{transform_indices = #map}, {transform_indices = #map}, {transform_indices = #map}, {transform_indices = #map}, {transform_indices = #map}]} {
    %mul3A = arith.constant 1 : i32
    %mul3A_0 = arith.muli %arg1, %mul3A : i32
    %add3A = arith.addi %mul3A_0, %arg0 : i32
    %mul3A_1 = arith.constant 6272 : i32
    %mul3A_2 = arith.muli %add3A, %mul3A_1 : i32
    %min3A = arith.constant 93728 : i32
    %min3A_3 = arith.minsi %mul3A_2, %min3A : i32
    %add3A_4 = arith.constant 0 : i32
    %add3A_5 = arith.addi %min3A_3, %add3A_4 : i32
    %dma_start3A = arith.constant 0 : i32
    %dma_start3A_6 = tpu.memref_slice %arg7[%dma_start3A] : memref<6272xf32, #tpu.memory_space<vmem>> -> memref<3136xf32, #tpu.memory_space<vmem>>
    %dma_start3A_7 = tpu.memref_slice %arg2[%add3A_5] : memref<100000xf32, #tpu.memory_space<hbm>> -> memref<3136xf32, #tpu.memory_space<hbm>>
    %dma_start3A_8 = arith.constant 0 : i32
    %dma_start3A_9 = tpu.memref_slice %arg7[%dma_start3A_8] : memref<6272xf32, #tpu.memory_space<vmem>> -> memref<3136xf32, #tpu.memory_space<vmem>>
    %dma_start3A_10 = tpu.memref_slice %arg2[%add3A_5] : memref<100000xf32, #tpu.memory_space<hbm>> -> memref<3136xf32, #tpu.memory_space<hbm>>
    tpu.enqueue_dma source(%dma_start3A_10 : memref<3136xf32, #tpu.memory_space<hbm>>) target(%dma_start3A_9 : memref<3136xf32, #tpu.memory_space<vmem>>) target_semaphore(%arg12 : memref<!tpu.dma_semaphore, #tpu.memory_space<semaphore_mem>>)
    %add3A_11 = arith.constant 0 : i32
    %add3A_12 = arith.addi %min3A_3, %add3A_11 : i32
    %dma_start3A_13 = arith.constant 0 : i32
    %dma_start3A_14 = tpu.memref_slice %arg8[%dma_start3A_13] : memref<6272xi32, #tpu.memory_space<vmem>> -> memref<3136xi32, #tpu.memory_space<vmem>>
    %dma_start3A_15 = tpu.memref_slice %arg3[%add3A_12] : memref<100000xi32, #tpu.memory_space<hbm>> -> memref<3136xi32, #tpu.memory_space<hbm>>
    %dma_start3A_16 = arith.constant 0 : i32
    %dma_start3A_17 = tpu.memref_slice %arg8[%dma_start3A_16] : memref<6272xi32, #tpu.memory_space<vmem>> -> memref<3136xi32, #tpu.memory_space<vmem>>
    %dma_start3A_18 = tpu.memref_slice %arg3[%add3A_12] : memref<100000xi32, #tpu.memory_space<hbm>> -> memref<3136xi32, #tpu.memory_space<hbm>>
    tpu.enqueue_dma source(%dma_start3A_18 : memref<3136xi32, #tpu.memory_space<hbm>>) target(%dma_start3A_17 : memref<3136xi32, #tpu.memory_space<vmem>>) target_semaphore(%arg12 : memref<!tpu.dma_semaphore, #tpu.memory_space<semaphore_mem>>)
    %add3A_19 = arith.constant 0 : i32
    %add3A_20 = arith.addi %min3A_3, %add3A_19 : i32
    %dma_start3A_21 = arith.constant 0 : i32
    %dma_start3A_22 = tpu.memref_slice %arg9[%dma_start3A_21] : memref<6272xi32, #tpu.memory_space<vmem>> -> memref<3136xi32, #tpu.memory_space<vmem>>
    %dma_start3A_23 = tpu.memref_slice %arg4[%add3A_20] : memref<100000xi32, #tpu.memory_space<hbm>> -> memref<3136xi32, #tpu.memory_space<hbm>>
    %dma_start3A_24 = arith.constant 0 : i32
    %dma_start3A_25 = tpu.memref_slice %arg9[%dma_start3A_24] : memref<6272xi32, #tpu.memory_space<vmem>> -> memref<3136xi32, #tpu.memory_space<vmem>>
    %dma_start3A_26 = tpu.memref_slice %arg4[%add3A_20] : memref<100000xi32, #tpu.memory_space<hbm>> -> memref<3136xi32, #tpu.memory_space<hbm>>
    tpu.enqueue_dma source(%dma_start3A_26 : memref<3136xi32, #tpu.memory_space<hbm>>) target(%dma_start3A_25 : memref<3136xi32, #tpu.memory_space<vmem>>) target_semaphore(%arg12 : memref<!tpu.dma_semaphore, #tpu.memory_space<semaphore_mem>>)
    tpu.enqueue_dma source(%arg5 : memref<640xf32, #tpu.memory_space<hbm>>) target(%arg10 : memref<640xf32, #tpu.memory_space<vmem>>) target_semaphore(%arg12 : memref<!tpu.dma_semaphore, #tpu.memory_space<semaphore_mem>>)
    %add3A_27 = arith.constant 3136 : i32
    %add3A_28 = arith.addi %min3A_3, %add3A_27 : i32
    %dma_start3A_29 = arith.constant 3136 : i32
    %dma_start3A_30 = tpu.memref_slice %arg7[%dma_start3A_29] : memref<6272xf32, #tpu.memory_space<vmem>> -> memref<3136xf32, #tpu.memory_space<vmem>>
    %dma_start3A_31 = tpu.memref_slice %arg2[%add3A_28] : memref<100000xf32, #tpu.memory_space<hbm>> -> memref<3136xf32, #tpu.memory_space<hbm>>
    %dma_start3A_32 = arith.constant 3136 : i32
    %dma_start3A_33 = tpu.memref_slice %arg7[%dma_start3A_32] : memref<6272xf32, #tpu.memory_space<vmem>> -> memref<3136xf32, #tpu.memory_space<vmem>>
    %dma_start3A_34 = tpu.memref_slice %arg2[%add3A_28] : memref<100000xf32, #tpu.memory_space<hbm>> -> memref<3136xf32, #tpu.memory_space<hbm>>
    tpu.enqueue_dma source(%dma_start3A_34 : memref<3136xf32, #tpu.memory_space<hbm>>) target(%dma_start3A_33 : memref<3136xf32, #tpu.memory_space<vmem>>) target_semaphore(%arg13 : memref<!tpu.dma_semaphore, #tpu.memory_space<semaphore_mem>>)
    %add3A_35 = arith.constant 3136 : i32
    %add3A_36 = arith.addi %min3A_3, %add3A_35 : i32
    %dma_start3A_37 = arith.constant 3136 : i32
    %dma_start3A_38 = tpu.memref_slice %arg8[%dma_start3A_37] : memref<6272xi32, #tpu.memory_space<vmem>> -> memref<3136xi32, #tpu.memory_space<vmem>>
    %dma_start3A_39 = tpu.memref_slice %arg3[%add3A_36] : memref<100000xi32, #tpu.memory_space<hbm>> -> memref<3136xi32, #tpu.memory_space<hbm>>
    %dma_start3A_40 = arith.constant 3136 : i32
    %dma_start3A_41 = tpu.memref_slice %arg8[%dma_start3A_40] : memref<6272xi32, #tpu.memory_space<vmem>> -> memref<3136xi32, #tpu.memory_space<vmem>>
    %dma_start3A_42 = tpu.memref_slice %arg3[%add3A_36] : memref<100000xi32, #tpu.memory_space<hbm>> -> memref<3136xi32, #tpu.memory_space<hbm>>
    tpu.enqueue_dma source(%dma_start3A_42 : memref<3136xi32, #tpu.memory_space<hbm>>) target(%dma_start3A_41 : memref<3136xi32, #tpu.memory_space<vmem>>) target_semaphore(%arg13 : memref<!tpu.dma_semaphore, #tpu.memory_space<semaphore_mem>>)
    %add3A_43 = arith.constant 3136 : i32
    %add3A_44 = arith.addi %min3A_3, %add3A_43 : i32
    %dma_start3A_45 = arith.constant 3136 : i32
    %dma_start3A_46 = tpu.memref_slice %arg9[%dma_start3A_45] : memref<6272xi32, #tpu.memory_space<vmem>> -> memref<3136xi32, #tpu.memory_space<vmem>>
    %dma_start3A_47 = tpu.memref_slice %arg4[%add3A_44] : memref<100000xi32, #tpu.memory_space<hbm>> -> memref<3136xi32, #tpu.memory_space<hbm>>
    %dma_start3A_48 = arith.constant 3136 : i32
    %dma_start3A_49 = tpu.memref_slice %arg9[%dma_start3A_48] : memref<6272xi32, #tpu.memory_space<vmem>> -> memref<3136xi32, #tpu.memory_space<vmem>>
    %dma_start3A_50 = tpu.memref_slice %arg4[%add3A_44] : memref<100000xi32, #tpu.memory_space<hbm>> -> memref<3136xi32, #tpu.memory_space<hbm>>
    tpu.enqueue_dma source(%dma_start3A_50 : memref<3136xi32, #tpu.memory_space<hbm>>) target(%dma_start3A_49 : memref<3136xi32, #tpu.memory_space<vmem>>) target_semaphore(%arg13 : memref<!tpu.dma_semaphore, #tpu.memory_space<semaphore_mem>>)
    %dma_wait3A = arith.constant 0 : i32
    %dma_wait3A_51 = tpu.memref_slice %arg7[%dma_wait3A] : memref<6272xf32, #tpu.memory_space<vmem>> -> memref<3136xf32, #tpu.memory_space<vmem>>
    %dma_wait3A_52 = tpu.memref_slice %arg2[%add3A_5] : memref<100000xf32, #tpu.memory_space<hbm>> -> memref<3136xf32, #tpu.memory_space<hbm>>
    %dma_wait3A_53 = arith.constant 0 : i32
    %dma_wait3A_54 = tpu.memref_slice %arg7[%dma_wait3A_53] : memref<6272xf32, #tpu.memory_space<vmem>> -> memref<3136xf32, #tpu.memory_space<vmem>>
    %dma_wait3A_55 = tpu.memref_slice %arg2[%add3A_5] : memref<100000xf32, #tpu.memory_space<hbm>> -> memref<3136xf32, #tpu.memory_space<hbm>>
    tpu.wait_dma2 semaphore(%arg12 : memref<!tpu.dma_semaphore, #tpu.memory_space<semaphore_mem>>) src(%dma_wait3A_55 : memref<3136xf32, #tpu.memory_space<hbm>>) dst(%dma_wait3A_54 : memref<3136xf32, #tpu.memory_space<vmem>>)
    %dma_wait3A_56 = arith.constant 0 : i32
    %dma_wait3A_57 = tpu.memref_slice %arg8[%dma_wait3A_56] : memref<6272xi32, #tpu.memory_space<vmem>> -> memref<3136xi32, #tpu.memory_space<vmem>>
    %dma_wait3A_58 = tpu.memref_slice %arg3[%add3A_12] : memref<100000xi32, #tpu.memory_space<hbm>> -> memref<3136xi32, #tpu.memory_space<hbm>>
    %dma_wait3A_59 = arith.constant 0 : i32
    %dma_wait3A_60 = tpu.memref_slice %arg8[%dma_wait3A_59] : memref<6272xi32, #tpu.memory_space<vmem>> -> memref<3136xi32, #tpu.memory_space<vmem>>
    %dma_wait3A_61 = tpu.memref_slice %arg3[%add3A_12] : memref<100000xi32, #tpu.memory_space<hbm>> -> memref<3136xi32, #tpu.memory_space<hbm>>
    tpu.wait_dma2 semaphore(%arg12 : memref<!tpu.dma_semaphore, #tpu.memory_space<semaphore_mem>>) src(%dma_wait3A_61 : memref<3136xi32, #tpu.memory_space<hbm>>) dst(%dma_wait3A_60 : memref<3136xi32, #tpu.memory_space<vmem>>)
    %dma_wait3A_62 = arith.constant 0 : i32
    %dma_wait3A_63 = tpu.memref_slice %arg9[%dma_wait3A_62] : memref<6272xi32, #tpu.memory_space<vmem>> -> memref<3136xi32, #tpu.memory_space<vmem>>
    %dma_wait3A_64 = tpu.memref_slice %arg4[%add3A_20] : memref<100000xi32, #tpu.memory_space<hbm>> -> memref<3136xi32, #tpu.memory_space<hbm>>
    %dma_wait3A_65 = arith.constant 0 : i32
    %dma_wait3A_66 = tpu.memref_slice %arg9[%dma_wait3A_65] : memref<6272xi32, #tpu.memory_space<vmem>> -> memref<3136xi32, #tpu.memory_space<vmem>>
    %dma_wait3A_67 = tpu.memref_slice %arg4[%add3A_20] : memref<100000xi32, #tpu.memory_space<hbm>> -> memref<3136xi32, #tpu.memory_space<hbm>>
    tpu.wait_dma2 semaphore(%arg12 : memref<!tpu.dma_semaphore, #tpu.memory_space<semaphore_mem>>) src(%dma_wait3A_67 : memref<3136xi32, #tpu.memory_space<hbm>>) dst(%dma_wait3A_66 : memref<3136xi32, #tpu.memory_space<vmem>>)
    tpu.wait_dma2 semaphore(%arg12 : memref<!tpu.dma_semaphore, #tpu.memory_space<semaphore_mem>>) src(%arg5 : memref<640xf32, #tpu.memory_space<hbm>>) dst(%arg10 : memref<640xf32, #tpu.memory_space<vmem>>)
    %parallel_loop3A = arith.constant 0 : i32
    %parallel_loop3A_68 = arith.constant 3136 : i32
    %parallel_loop3A_69 = arith.constant 16 : i32
    scf.for %parallel_loop3A_117 = %parallel_loop3A to %parallel_loop3A_68 step %parallel_loop3A_69  : i32 {
      %parallel_loop3A_118 = arith.index_cast %parallel_loop3A_117 : i32 to index
      %parallel_loop3A_119 = tpu.vector_load %arg8[%parallel_loop3A_118] {strides = array<i32>} : memref<6272xi32, #tpu.memory_space<vmem>>, vector<16xi32>,
      %parallel_loop3A_120 = tpu.vector_load_idx %arg10[%parallel_loop3A_119] : memref<640xf32, #tpu.memory_space<vmem>>[vector<16xi32>], vector<16xf32>,
      %parallel_loop3A_121 = arith.fptosi %parallel_loop3A_120 : vector<16xf32> to vector<16xi32>
      %parallel_loop3A_122 = arith.constant 16 : i32
      %parallel_loop3A_123 = vector.broadcast %parallel_loop3A_122 : i32 to vector<16xi32>
      %parallel_loop3A_124 = arith.muli %parallel_loop3A_121, %parallel_loop3A_123 : vector<16xi32>
      %parallel_loop3A_125 = arith.index_cast %parallel_loop3A_117 : i32 to index
      %parallel_loop3A_126 = tpu.vector_load %arg9[%parallel_loop3A_125] {strides = array<i32>} : memref<6272xi32, #tpu.memory_space<vmem>>, vector<16xi32>,
      %parallel_loop3A_127 = arith.addi %parallel_loop3A_124, %parallel_loop3A_126 : vector<16xi32>
      %parallel_loop3A_128 = arith.constant 512 : i32
      %parallel_loop3A_129 = vector.broadcast %parallel_loop3A_128 : i32 to vector<16xi32>
      %parallel_loop3A_130 = arith.addi %parallel_loop3A_127, %parallel_loop3A_129 : vector<16xi32>
      %parallel_loop3A_131 = tpu.vector_load_idx %arg10[%parallel_loop3A_130] : memref<640xf32, #tpu.memory_space<vmem>>[vector<16xi32>], vector<16xf32>,
      %parallel_loop3A_132 = arith.constant 64 : i32
      %parallel_loop3A_133 = vector.broadcast %parallel_loop3A_132 : i32 to vector<16xi32>
      %parallel_loop3A_134 = arith.addi %parallel_loop3A_130, %parallel_loop3A_133 : vector<16xi32>
      %parallel_loop3A_135 = tpu.vector_load_idx %arg10[%parallel_loop3A_134] : memref<640xf32, #tpu.memory_space<vmem>>[vector<16xi32>], vector<16xf32>,
      %parallel_loop3A_136 = arith.index_cast %parallel_loop3A_117 : i32 to index
      %parallel_loop3A_137 = tpu.vector_load %arg7[%parallel_loop3A_136] {strides = array<i32>} : memref<6272xf32, #tpu.memory_space<vmem>>, vector<16xf32>,
      %parallel_loop3A_138 = arith.mulf %parallel_loop3A_137, %parallel_loop3A_131 : vector<16xf32>
      %parallel_loop3A_139 = arith.addf %parallel_loop3A_138, %parallel_loop3A_135 : vector<16xf32>
      %parallel_loop3A_140 = arith.index_cast %parallel_loop3A_117 : i32 to index
      %parallel_loop3A_141 = tpu.vector_load %arg11[%parallel_loop3A_140] {strides = array<i32>} : memref<6272xf32, #tpu.memory_space<vmem>>, vector<16xf32>,
      tpu.vector_store %arg11[%parallel_loop3A_140], %parallel_loop3A_139 {strides = array<i32>} : memref<6272xf32, #tpu.memory_space<vmem>>, vector<16xf32>,
    } {sc.loop_unroll_factor = 8 : i64, sc.parallel_access}
    %dma_start3A_70 = arith.constant 0 : i32
    %dma_start3A_71 = tpu.memref_slice %arg11[%dma_start3A_70] : memref<6272xf32, #tpu.memory_space<vmem>> -> memref<3136xf32, #tpu.memory_space<vmem>>
    %dma_start3A_72 = tpu.memref_slice %arg6[%min3A_3] : memref<100000xf32, #tpu.memory_space<hbm>> -> memref<3136xf32, #tpu.memory_space<hbm>>
    %dma_start3A_73 = tpu.memref_slice %arg6[%min3A_3] : memref<100000xf32, #tpu.memory_space<hbm>> -> memref<3136xf32, #tpu.memory_space<hbm>>
    %dma_start3A_74 = arith.constant 0 : i32
    %dma_start3A_75 = tpu.memref_slice %arg11[%dma_start3A_74] : memref<6272xf32, #tpu.memory_space<vmem>> -> memref<3136xf32, #tpu.memory_space<vmem>>
    tpu.enqueue_dma source(%dma_start3A_75 : memref<3136xf32, #tpu.memory_space<vmem>>) target(%dma_start3A_73 : memref<3136xf32, #tpu.memory_space<hbm>>) target_semaphore(%arg14 : memref<!tpu.dma_semaphore, #tpu.memory_space<semaphore_mem>>)
    %dma_wait3A_76 = arith.constant 3136 : i32
    %dma_wait3A_77 = tpu.memref_slice %arg7[%dma_wait3A_76] : memref<6272xf32, #tpu.memory_space<vmem>> -> memref<3136xf32, #tpu.memory_space<vmem>>
    %dma_wait3A_78 = tpu.memref_slice %arg2[%add3A_28] : memref<100000xf32, #tpu.memory_space<hbm>> -> memref<3136xf32, #tpu.memory_space<hbm>>
    %dma_wait3A_79 = arith.constant 3136 : i32
    %dma_wait3A_80 = tpu.memref_slice %arg7[%dma_wait3A_79] : memref<6272xf32, #tpu.memory_space<vmem>> -> memref<3136xf32, #tpu.memory_space<vmem>>
    %dma_wait3A_81 = tpu.memref_slice %arg2[%add3A_28] : memref<100000xf32, #tpu.memory_space<hbm>> -> memref<3136xf32, #tpu.memory_space<hbm>>
    tpu.wait_dma2 semaphore(%arg13 : memref<!tpu.dma_semaphore, #tpu.memory_space<semaphore_mem>>) src(%dma_wait3A_81 : memref<3136xf32, #tpu.memory_space<hbm>>) dst(%dma_wait3A_80 : memref<3136xf32, #tpu.memory_space<vmem>>)
    %dma_wait3A_82 = arith.constant 3136 : i32
    %dma_wait3A_83 = tpu.memref_slice %arg8[%dma_wait3A_82] : memref<6272xi32, #tpu.memory_space<vmem>> -> memref<3136xi32, #tpu.memory_space<vmem>>
    %dma_wait3A_84 = tpu.memref_slice %arg3[%add3A_36] : memref<100000xi32, #tpu.memory_space<hbm>> -> memref<3136xi32, #tpu.memory_space<hbm>>
    %dma_wait3A_85 = arith.constant 3136 : i32
    %dma_wait3A_86 = tpu.memref_slice %arg8[%dma_wait3A_85] : memref<6272xi32, #tpu.memory_space<vmem>> -> memref<3136xi32, #tpu.memory_space<vmem>>
    %dma_wait3A_87 = tpu.memref_slice %arg3[%add3A_36] : memref<100000xi32, #tpu.memory_space<hbm>> -> memref<3136xi32, #tpu.memory_space<hbm>>
    tpu.wait_dma2 semaphore(%arg13 : memref<!tpu.dma_semaphore, #tpu.memory_space<semaphore_mem>>) src(%dma_wait3A_87 : memref<3136xi32, #tpu.memory_space<hbm>>) dst(%dma_wait3A_86 : memref<3136xi32, #tpu.memory_space<vmem>>)
    %dma_wait3A_88 = arith.constant 3136 : i32
    %dma_wait3A_89 = tpu.memref_slice %arg9[%dma_wait3A_88] : memref<6272xi32, #tpu.memory_space<vmem>> -> memref<3136xi32, #tpu.memory_space<vmem>>
    %dma_wait3A_90 = tpu.memref_slice %arg4[%add3A_44] : memref<100000xi32, #tpu.memory_space<hbm>> -> memref<3136xi32, #tpu.memory_space<hbm>>
    %dma_wait3A_91 = arith.constant 3136 : i32
    %dma_wait3A_92 = tpu.memref_slice %arg9[%dma_wait3A_91] : memref<6272xi32, #tpu.memory_space<vmem>> -> memref<3136xi32, #tpu.memory_space<vmem>>
    %dma_wait3A_93 = tpu.memref_slice %arg4[%add3A_44] : memref<100000xi32, #tpu.memory_space<hbm>> -> memref<3136xi32, #tpu.memory_space<hbm>>
    tpu.wait_dma2 semaphore(%arg13 : memref<!tpu.dma_semaphore, #tpu.memory_space<semaphore_mem>>) src(%dma_wait3A_93 : memref<3136xi32, #tpu.memory_space<hbm>>) dst(%dma_wait3A_92 : memref<3136xi32, #tpu.memory_space<vmem>>)
    %parallel_loop3A_94 = arith.constant 3136 : i32
    %parallel_loop3A_95 = arith.constant 6272 : i32
    %parallel_loop3A_96 = arith.constant 16 : i32
    scf.for %parallel_loop3A_117 = %parallel_loop3A_94 to %parallel_loop3A_95 step %parallel_loop3A_96  : i32 {
      %parallel_loop3A_118 = arith.index_cast %parallel_loop3A_117 : i32 to index
      %parallel_loop3A_119 = tpu.vector_load %arg8[%parallel_loop3A_118] {strides = array<i32>} : memref<6272xi32, #tpu.memory_space<vmem>>, vector<16xi32>,
      %parallel_loop3A_120 = tpu.vector_load_idx %arg10[%parallel_loop3A_119] : memref<640xf32, #tpu.memory_space<vmem>>[vector<16xi32>], vector<16xf32>,
      %parallel_loop3A_121 = arith.fptosi %parallel_loop3A_120 : vector<16xf32> to vector<16xi32>
      %parallel_loop3A_122 = arith.constant 16 : i32
      %parallel_loop3A_123 = vector.broadcast %parallel_loop3A_122 : i32 to vector<16xi32>
      %parallel_loop3A_124 = arith.muli %parallel_loop3A_121, %parallel_loop3A_123 : vector<16xi32>
      %parallel_loop3A_125 = arith.index_cast %parallel_loop3A_117 : i32 to index
      %parallel_loop3A_126 = tpu.vector_load %arg9[%parallel_loop3A_125] {strides = array<i32>} : memref<6272xi32, #tpu.memory_space<vmem>>, vector<16xi32>,
      %parallel_loop3A_127 = arith.addi %parallel_loop3A_124, %parallel_loop3A_126 : vector<16xi32>
      %parallel_loop3A_128 = arith.constant 512 : i32
      %parallel_loop3A_129 = vector.broadcast %parallel_loop3A_128 : i32 to vector<16xi32>
      %parallel_loop3A_130 = arith.addi %parallel_loop3A_127, %parallel_loop3A_129 : vector<16xi32>
      %parallel_loop3A_131 = tpu.vector_load_idx %arg10[%parallel_loop3A_130] : memref<640xf32, #tpu.memory_space<vmem>>[vector<16xi32>], vector<16xf32>,
      %parallel_loop3A_132 = arith.constant 64 : i32
      %parallel_loop3A_133 = vector.broadcast %parallel_loop3A_132 : i32 to vector<16xi32>
      %parallel_loop3A_134 = arith.addi %parallel_loop3A_130, %parallel_loop3A_133 : vector<16xi32>
      %parallel_loop3A_135 = tpu.vector_load_idx %arg10[%parallel_loop3A_134] : memref<640xf32, #tpu.memory_space<vmem>>[vector<16xi32>], vector<16xf32>,
      %parallel_loop3A_136 = arith.index_cast %parallel_loop3A_117 : i32 to index
      %parallel_loop3A_137 = tpu.vector_load %arg7[%parallel_loop3A_136] {strides = array<i32>} : memref<6272xf32, #tpu.memory_space<vmem>>, vector<16xf32>,
      %parallel_loop3A_138 = arith.mulf %parallel_loop3A_137, %parallel_loop3A_131 : vector<16xf32>
      %parallel_loop3A_139 = arith.addf %parallel_loop3A_138, %parallel_loop3A_135 : vector<16xf32>
      %parallel_loop3A_140 = arith.index_cast %parallel_loop3A_117 : i32 to index
      %parallel_loop3A_141 = tpu.vector_load %arg11[%parallel_loop3A_140] {strides = array<i32>} : memref<6272xf32, #tpu.memory_space<vmem>>, vector<16xf32>,
      tpu.vector_store %arg11[%parallel_loop3A_140], %parallel_loop3A_139 {strides = array<i32>} : memref<6272xf32, #tpu.memory_space<vmem>>, vector<16xf32>,
    } {sc.loop_unroll_factor = 8 : i64, sc.parallel_access}
    %add3A_97 = arith.constant 3136 : i32
    %add3A_98 = arith.addi %min3A_3, %add3A_97 : i32
    %dma_start3A_99 = arith.constant 3136 : i32
    %dma_start3A_100 = tpu.memref_slice %arg11[%dma_start3A_99] : memref<6272xf32, #tpu.memory_space<vmem>> -> memref<3136xf32, #tpu.memory_space<vmem>>
    %dma_start3A_101 = tpu.memref_slice %arg6[%add3A_98] : memref<100000xf32, #tpu.memory_space<hbm>> -> memref<3136xf32, #tpu.memory_space<hbm>>
    %dma_start3A_102 = tpu.memref_slice %arg6[%add3A_98] : memref<100000xf32, #tpu.memory_space<hbm>> -> memref<3136xf32, #tpu.memory_space<hbm>>
    %dma_start3A_103 = arith.constant 3136 : i32
    %dma_start3A_104 = tpu.memref_slice %arg11[%dma_start3A_103] : memref<6272xf32, #tpu.memory_space<vmem>> -> memref<3136xf32, #tpu.memory_space<vmem>>
    tpu.enqueue_dma source(%dma_start3A_104 : memref<3136xf32, #tpu.memory_space<vmem>>) target(%dma_start3A_102 : memref<3136xf32, #tpu.memory_space<hbm>>) target_semaphore(%arg14 : memref<!tpu.dma_semaphore, #tpu.memory_space<semaphore_mem>>)
    %dma_wait3A_105 = arith.constant 0 : i32
    %dma_wait3A_106 = tpu.memref_slice %arg11[%dma_wait3A_105] : memref<6272xf32, #tpu.memory_space<vmem>> -> memref<3136xf32, #tpu.memory_space<vmem>>
    %dma_wait3A_107 = tpu.memref_slice %arg6[%min3A_3] : memref<100000xf32, #tpu.memory_space<hbm>> -> memref<3136xf32, #tpu.memory_space<hbm>>
    %dma_wait3A_108 = tpu.memref_slice %arg6[%min3A_3] : memref<100000xf32, #tpu.memory_space<hbm>> -> memref<3136xf32, #tpu.memory_space<hbm>>
    %dma_wait3A_109 = arith.constant 0 : i32
    %dma_wait3A_110 = tpu.memref_slice %arg11[%dma_wait3A_109] : memref<6272xf32, #tpu.memory_space<vmem>> -> memref<3136xf32, #tpu.memory_space<vmem>>
    tpu.wait_dma2 semaphore(%arg14 : memref<!tpu.dma_semaphore, #tpu.memory_space<semaphore_mem>>) src(%dma_wait3A_110 : memref<3136xf32, #tpu.memory_space<vmem>>) dst(%dma_wait3A_108 : memref<3136xf32, #tpu.memory_space<hbm>>)
    %dma_wait3A_111 = arith.constant 3136 : i32
    %dma_wait3A_112 = tpu.memref_slice %arg11[%dma_wait3A_111] : memref<6272xf32, #tpu.memory_space<vmem>> -> memref<3136xf32, #tpu.memory_space<vmem>>
    %dma_wait3A_113 = tpu.memref_slice %arg6[%add3A_98] : memref<100000xf32, #tpu.memory_space<hbm>> -> memref<3136xf32, #tpu.memory_space<hbm>>
    %dma_wait3A_114 = tpu.memref_slice %arg6[%add3A_98] : memref<100000xf32, #tpu.memory_space<hbm>> -> memref<3136xf32, #tpu.memory_space<hbm>>
    %dma_wait3A_115 = arith.constant 3136 : i32
    %dma_wait3A_116 = tpu.memref_slice %arg11[%dma_wait3A_115] : memref<6272xf32, #tpu.memory_space<vmem>> -> memref<3136xf32, #tpu.memory_space<vmem>>
    tpu.wait_dma2 semaphore(%arg14 : memref<!tpu.dma_semaphore, #tpu.memory_space<semaphore_mem>>) src(%dma_wait3A_116 : memref<3136xf32, #tpu.memory_space<vmem>>) dst(%dma_wait3A_114 : memref<3136xf32, #tpu.memory_space<hbm>>)
    return
  }
}

</mosaic_0001>

<sc_bundles>
// kernel: kernel.3.cloned.1.call-start
scs
__scs_entry_jumppad:
0x0: {  	(pc) =	sbr.rel $0x88, $3  }
0x1: {  	(tag) =	ssettag $0x0;
	lr =	simm.s32 $0x1  }
0x2: {  	[smem:$0x3F9B] =	sst lr;
	_ =	strace $0xD0000000  }
0x3: {  	_ = 	snop  }
0x4: {  	_ = 	snop  }
0x5: {  	_ = 	snop  }
0x6: {  	_ = 	snop  }
0x7: {  	_ = 	snop  }
__scs_overlays_trampoline_lowered:
0x8: {  	[smem:$0x3FAA] =	sst s0  }
0x9: {  	[smem:$0x3FAB] =	sst s1  }
0xa: {  	[smem:$0x3FAC] =	sst s2  }
0xb: {  	[smem:$0x3FAD] =	sst s3  }
0xc: {  	[smem:$0x3FAE] =	sst s4  }
0xd: {  	[smem:$0x3FAF] =	sst s5  }
0xe: {  	[smem:$0x3FB0] =	sst s6  }
0xf: {  	[smem:$0x3FB1] =	sst s7  }
0x10: {  	[smem:$0x3FB2] =	sst s8  }
0x11: {  	[smem:$0x3FB3] =	sst s9;
	s0 =	simm.s32 @!p0 $0x0  }
0x12: {  	s1 =	sld [smem:$0x3F99];
	s0 =	simm.s32 @p0 $0x1  }
0x13: {  	[smem:$0x3FB4] =	sst s0;
	s0 =	simm.s32 @!p1 $0x0  }
0x14: {  	s2 =	sld [smem:$0x3F98];
	s0 =	simm.s32 @p1 $0x1  }
0x15: {  	[smem:$0x3FB5] =	sst s0;
	s0 =	simm.s32 @!p2 $0x0  }
0x16: {  	s3 =	sld [smem:$0x3FDB];
	s0 =	simm.s32 @p2 $0x1  }
0x17: {  	s4 =	simm.s32 $0x1BF5;
	[smem:$0x3FB7] =	sst s0  }
0x18: {  	s0 =	sld [smem:$0x3F9A];
	_ =	swait.ge [sflag:s4], $0x0  }
0x19: {  	s7 =	sld [smem:$0x3F9B]  }
0x1a: {  	s8 =	sadd.s32 $0xFFFFE003, lr  }
0x1b: {  	s9 =	sadd.s32 $0xFFFFFEF7, lr;
	s5 =	simm.s32 $0xFFFFFFFF;
	p2 =	slt.u32 s8, $0xFFFFF086  }
0x1c: {  	p1 =	slt.u32 s9, $0xF7A;
	s5 =	simm.s32 @!p2 $0x0  }
0x1d: {  	s5 =	simm.s32 @p1 $0x1;
	p0 =	seq.s32 s7, s2  }
0x1e: {  	s7 =	smul.u32 @!p0 $0xF7A, s2;
	p2 =	seq.s32 @!p0 s5, $0x0  }
0x1f: {  	s9 =	smul.u32 $0xF7A, s1;
	s8 =	simm.s32 @!p0 $0x1BF5;
	p2 =	por !p2, p0  }
0x20: {  	[sflag:s8] =	ssyncset.s32 @!p0 $0xFFFFF086;
	s6 =	sadd.s32 @!p0 s3, s7;
	s7 =	simm.s32 @!p0 $0x108  }
0x21: {  	s3 =	sadd.s32 s3, s9;
	s6 =	sadd.s32 @!p0 $0x88, s6;
	s7 =	simm.s32 @p2 $0x1082  }
0x22: {  	[simem:s7], [sflag:s8] =	dma.local @!p0 [hbm:s6], $0xF7A  }
0x23: {  	s9 =	sor.u32 $0xD0000000, s2;
	s6 =	simm.s32 $0x108;
	_ =	swait.ge @!p0 [sflag:s8], $0x0  }
0x24: {  	s3 =	sadd.s32 $0x88, s3;
	s6 =	simm.s32 @!p1 $0x1082;
	[sflag:s4] =	ssyncset.s32 $0xFFFFF086  }
0x25: {  	[simem:s6], [sflag:s4] =	dma.local [hbm:s3], $0xF7A  }
0x26: {  	[smem:$0x3F9B] =	sst s1;
	(tag) =	ssettag s2;
	_ =	strace s9  }
0x27: {  	s1 =	sld [smem:$0x3FAB]  }
0x28: {  	s2 =	sld [smem:$0x3FAC]  }
0x29: {  	s4 =	sld [smem:$0x3FAE]  }
0x2a: {  	p0 =	seq.s32 s5, $0x0;
	s5 =	sld [smem:$0x3FAF]  }
0x2b: {  	s6 =	sld [smem:$0x3FB0]  }
0x2c: {  	s7 =	sld [smem:$0x3FB1]  }
0x2d: {  	s3 =	simm.s32 $0x108;
	s8 =	sld [smem:$0x3FB2]  }
0x2e: {  	s3 =	simm.s32 @!p0 $0x1082;
	s9 =	sld [smem:$0x3FB3]  }
0x2f: {  	lr =	sadd.s32 s0, s3;
	s0 =	sld [smem:$0x3FAA]  }
0x30: {  	s3 =	sld [smem:$0x3FAD]  }
0x31: {  	[smem:$0x3FB6] =	sst s10  }
0x32: {  	s10 =	sld [smem:$0x3FB4];
	_ =	sdelay $0x3  }
0x33: {  	p0 =	seq.s32 s10, $0x1;
	s10 =	sld [smem:$0x3FB6];
	_ =	sdelay $0x3  }
0x34: {  	[smem:$0x3FB6] =	sst s10  }
0x35: {  	s10 =	sld [smem:$0x3FB5];
	_ =	sdelay $0x3  }
0x36: {  	p1 =	seq.s32 s10, $0x1;
	s10 =	sld [smem:$0x3FB6];
	_ =	sdelay $0x3  }
0x37: {  	[smem:$0x3FB6] =	sst s10  }
0x38: {  	s10 =	sld [smem:$0x3FB7]  }
0x39: {  	_ = 	snop;
	(pc) =	sbr.ind lr, $3  }
0x3a: {  	_ = 	snop  }
0x3b: {  	_ = 	snop  }
0x3c: {  	p2 =	seq.s32 s10, $0x1;
	s10 =	sld [smem:$0x3FB6]  }
0x3d: {  	_ =	shalt  }
0x3e: {  	_ =	shalt  }
0x3f: {  	_ =	shalt  }
0x40: {  	_ =	shalt  }
0x41: {  	_ =	shalt  }
0x42: {  	_ =	shalt  }
0x43: {  	_ =	shalt  }
0x44: {  	_ =	shalt  }
0x45: {  	_ =	shalt  }
0x46: {  	_ =	shalt  }
0x47: {  	_ =	shalt  }
0x48: {  	_ =	shalt  }
0x49: {  	_ =	shalt  }
0x4a: {  	_ =	shalt  }
0x4b: {  	_ =	shalt  }
0x4c: {  	_ =	shalt  }
0x4d: {  	_ =	shalt  }
0x4e: {  	_ =	shalt  }
0x4f: {  	_ =	shalt  }
0x50: {  	_ =	shalt  }
0x51: {  	_ =	shalt  }
0x52: {  	_ =	shalt  }
0x53: {  	_ =	shalt  }
0x54: {  	_ =	shalt  }
0x55: {  	_ =	shalt  }
0x56: {  	_ =	shalt  }
0x57: {  	_ =	shalt  }
0x58: {  	_ =	shalt  }
0x59: {  	_ =	shalt  }
0x5a: {  	_ =	shalt  }
0x5b: {  	_ =	shalt  }
0x5c: {  	_ =	shalt  }
0x5d: {  	_ =	shalt  }
0x5e: {  	_ =	shalt  }
0x5f: {  	_ =	shalt  }
0x60: {  	_ =	shalt  }
0x61: {  	_ =	shalt  }
0x62: {  	_ =	shalt  }
0x63: {  	_ =	shalt  }
0x64: {  	_ =	shalt  }
0x65: {  	_ =	shalt  }
0x66: {  	_ =	shalt  }
0x67: {  	_ =	shalt  }
0x68: {  	_ =	shalt  }
0x69: {  	_ =	shalt  }
0x6a: {  	_ =	shalt  }
0x6b: {  	_ =	shalt  }
0x6c: {  	_ =	shalt  }
0x6d: {  	_ =	shalt  }
0x6e: {  	_ =	shalt  }
0x6f: {  	_ =	shalt  }
0x70: {  	_ =	shalt  }
0x71: {  	_ =	shalt  }
0x72: {  	_ =	shalt  }
0x73: {  	_ =	shalt  }
0x74: {  	_ =	shalt  }
0x75: {  	_ =	shalt  }
0x76: {  	_ =	shalt  }
0x77: {  	_ =	shalt  }
0x78: {  	_ =	shalt  }
0x79: {  	_ =	shalt  }
0x7a: {  	_ =	shalt  }
0x7b: {  	_ =	shalt  }
0x7c: {  	_ =	shalt  }
0x7d: {  	_ =	shalt  }
0x7e: {  	_ =	shalt  }
0x7f: {  	_ =	shalt  }
0x80: {  	_ =	shalt  }
0x81: {  	_ =	shalt  }
0x82: {  	_ =	shalt  }
0x83: {  	_ =	shalt  }
0x84: {  	_ =	shalt  }
0x85: {  	_ =	shalt  }
0x86: {  	_ =	shalt  }
0x87: {  	_ =	shalt  }
.Lfunc_end0:
.L_simem_size_0:
called_computation_lowered:
.L_overlay_start_0:
0x88: {  	s0 =	sld [smem:$0x3FD9]  }
0x89: {  	s1 =	sld [smem:$0x3FFE];
	_ =	sdelay $0x3  }
0x8a: {  	s0 =	sadd.s32 s1, s0  }
0x8b: {  	[smem:$0x3FC2] =	sst s0  }
0x8c: {  	_ = 	snop  }
0x8d: {  	s0 =	sld [smem:$0x3FC8]  }
0x8e: {  	s16 =	sld [smem:$0x3FC6]  }
0x8f: {  	s2 =	sld [smem:$0x3FD0];
	(tm) =	ssettm $0x1  }
0x90: {  	s3 =	sld [smem:$0x3FFB];
	_ =	sdelay $0x3  }
0x91: {  	_ =	strace s3  }
0x92: {  	s3 =	sld [smem:$0x3FFC];
	_ =	sdelay $0x3  }
0x93: {  	_ =	strace s3  }
0x94: {  	s3 =	sld [smem:$0x3FFD];
	_ =	sdelay $0x3  }
0x95: {  	_ =	strace s3  }
0x96: {  	_ =	strace $0x8FFFFFFF  }
0x97: {  	s17 =	sld [smem:$0x3FDB];
	_ =	sdelay $0x1  }
0x98: {  	s4 =	simm.s32 $_scs_section_size  }
0x99: {  	s5 =	simm.s32 $_size__tile_overlayer_lowered;
	s6 =	simm.s32 $_tile_overlayer_lowered  }
0x9a: {  	s20 =	simm.s32 $0x1BFF;
	s19 =	sshll.u32 s6, $0x1;
	s3 =	sadd.s32 s4, s17  }
0x9b: {  	s7 =	simm.s32 $0x0;
	s18 =	sshll.u32 s5, $0x1;
	s5 =	sadd.s32 s19, s3  }
0x9c: {  	[timem:s7], [sflag:s20] =	dma.local [hbm:s5], s18  }
0x9d: {  	_ =	swait.ge [sflag:s20], s18  }
0x9e: {  	s4 =	ssub.s32 $0x0, s18;
	[sflag:s20] =	ssyncset.done $0x0  }
0x9f: {  	[sflag:s20] =	ssyncadd.s32 s4;
	_ =	sdelay $0x1  }
0xa0: {  	s21 =	simm.s32 $0x1B8B  }
0xa1: {  	_ =	swait.ge [sflag:s21], $0x1  }
0xa2: {  	[sflag:s21] =	ssyncset.done $0x0  }
0xa3: {  	s23 =	simm.s32 $0x1B8E;
	s22 =	sld [smem:$0x3FFE];
	[sflag:s21] =	ssyncadd.s32 $0xFFFFFFFF  }
0xa4: {  	s24 =	simm.s32 $execute0_lowered;
	[smem:$0x3FD2] =	sst s23  }
0xa5: {  	s5 =	sshll.u32 s24, $0x1;
	_ =	strace $0x80000046;
	[dreg:$0x1] =	wrdreg $0xFFFFFFFF  }
0xa6: {  	s25 =	simm.s32 $_size_execute0_lowered;
	s3 =	sadd.s32 s3, s5;
	[dreg:$0x0] =	wrdreg $0x0  }
0xa7: {  	s5 =	sshll.u32 s25, $0x1;
	[dreg:$0x2] =	wrdreg s3  }
0xa8: {  	[dreg:$0x3] =	wrdreg s5  }
0xa9: {  	[dreg:$0x4] =	wrdreg $0xC0  }
0xaa: {  	_ =	task [dreg:s7], $0x5FFFF  }
0xab: {  	[dreg:$0x1] =	wrdreg $0xFFFFFFFF  }
0xac: {  	[dreg:$0x0] =	wrdreg $0x60  }
0xad: {  	[dreg:$0x2] =	wrdreg s22  }
0xae: {  	[dreg:$0x3] =	wrdreg s0  }
0xaf: {  	[dreg:$0x4] =	wrdreg s16  }
0xb0: {  	[dreg:$0x5] =	wrdreg s2  }
0xb1: {  	[dreg:$0x6] =	wrdreg $0x9  }
0xb2: {  	_ =	task.clear_ibuf [dreg:s7], $0x7FFFF;
	_ =	strace $0x90000046  }
0xb3: {  	s26 =	simm.s32 $0x9;
	_ =	strace $0x80000048  }
0xb4: {  	_ =	swait.ge [sflag:s26], $0x1  }
0xb5: {  	[sflag:s26] =	ssyncadd.s32 $0xFFFFFFFF  }
0xb6: {  	_ =	strace $0x90000048  }
0xb7: {  	_ =	sfence  }
0xb8: {  	s28 =	sld [smem:$0x0];
	_ =	sdelay $0x1  }
0xb9: {  	s29 =	srdreg.scid  }
0xba: {  	s30 =	sshll.u32 s29, $0xD;
	s31 =	sshrl.u32 s29, $0x2  }
0xbb: {  	s1 =	sand.u32 $0x1, s29;
	s2 =	sand.u32 $0x4000, s30;
	s0 =	sadd.s32 s31, s28  }
0xbc: {  	s1 =	sor.u32 s2, s1;
	s0 =	sshll.u32 s0, $0x11  }
0xbd: {  	s0 =	sor.u32 s0, s1  }
0xbe: {  	s0 =	sadd.s32 $0x8F2B, s0  }
0xbf: {  	[sflag:s0] =	ssyncadd.remote.s32 $0x1  }
0xc0: {  	_ =	sfence.sel $0xFFFF  }
0xc1: {  	[dreg:$0x0] =	wrdreg $0xFFFFFFFF;
	(pc) =	sbr.abs _section_cstart, $3  }
0xc2: {  	[dreg:$0x1] =	wrdreg $0xFFFFFFFF  }
0xc3: {  	_ =	task.clear_ibuf [dreg:s7], $0x2FFFF;
	_ =	strace $0x9FFFFFFF  }
0xc4: {  	(tm) =	ssettm $0x7FFFFFFF  }
0xc5: {  	_ =	shalt  }
tec
execute0_lowered:
.L_overlay_start_1:
0x0: {  	(tag) =	ssettag $0x1  }
0x1: {  	s3 =	rddreg [dreg:$0x0];
	s0 =	stileid.u32  }
0x2: {  	s6 =	rddreg [dreg:$0x1];
	s2 =	smul.u32 $0x1880, s0  }
0x3: {  	s7 =	rddreg [dreg:$0x2]  }
0x4: {  	s8 =	rddreg [dreg:$0x3];
	s9 =	simm.s32 $0x0;
	s2 =	smin.u32 s2, $0x16E20  }
0x5: {  	[smem:$0x7FF] =	sst s9;
	s10 =	sadd.s32 $0x400, s3;
	s4 =	sshrl.u32 s2, $0x3  }
0x6: {  	s1 =	rddreg [dreg:$0x4];
	_ =	strace $0x80000047;
	s2 =	sadd.s32 s10, s4  }
0x7: {  	[tilespmem:s9], [sflag:$0x1] =	stream.linear.gather [hbm4b:s2+s9], $0xC40, $0x38;
	[tilespmem:$0x6480] =	vst v63  }
0x8: {  	s5 =	simm.s32 $0x1880;
	s21 =	sadd.s32 s6, s4  }
0x9: {  	[tilespmem:s5], [sflag:$0x1] =	stream.linear.gather [hbm4b:s21+s9], $0xC40, $0x38;
	[tilespmem:$0x6480] =	vst v63  }
0xa: {  	s23 =	simm.s32 $0x3100;
	s22 =	sadd.s32 s7, s4  }
0xb: {  	[tilespmem:s23], [sflag:$0x1] =	stream.linear.gather [hbm4b:s22+s9], $0xC40, $0x38;
	[tilespmem:$0x6480] =	vst v63  }
0xc: {  	s2 =	sadd.s32 $0x188, s4;
	s5 =	simm.s32 $0x4980  }
0xd: {  	[tilespmem:s5], [sflag:$0x1] =	stream.linear.gather [hbm4b:s8+s9], $0x280, $0x38;
	[tilespmem:$0x6480] =	vst v63  }
0xe: {  	s25 =	simm.s32 $0xC40;
	s24 =	sadd.s32 s10, s2  }
0xf: {  	[tilespmem:s25], [sflag:$0x2] =	stream.linear.gather [hbm4b:s24+s9], $0xC40, $0x38;
	[tilespmem:$0x6480] =	vst v63  }
0x10: {  	s26 =	simm.s32 $0x24C0;
	s6 =	sadd.s32 s6, s2  }
0x11: {  	[tilespmem:s26], [sflag:$0x2] =	stream.linear.gather [hbm4b:s6+s9], $0xC40, $0x38;
	[tilespmem:$0x6480] =	vst v63  }
0x12: {  	s29 =	simm.s32 $0x3D40;
	s30 =	simm.s32 $0x1;
	s28 =	sadd.s32 s7, s2  }
0x13: {  	[tilespmem:s29], [sflag:$0x2] =	stream.linear.gather [hbm4b:s28+s9], $0xC40, $0x38;
	[tilespmem:$0x6480] =	vst v63  }
0x14: {  	_ =	swait.ge [sflag:s30], $0xC40  }
0x15: {  	[sflag:s30] =	ssyncset.done $0x0  }
0x16: {  	[sflag:s30] =	ssyncadd.s32 $0xFFFFF3C0  }
0x17: {  	_ =	swait.ge [sflag:s30], $0xC40  }
0x18: {  	[sflag:s30] =	ssyncset.done $0x0  }
0x19: {  	[sflag:s30] =	ssyncadd.s32 $0xFFFFF3C0  }
0x1a: {  	_ =	swait.ge [sflag:s30], $0xC40  }
0x1b: {  	[sflag:s30] =	ssyncset.done $0x0  }
0x1c: {  	[sflag:s30] =	ssyncadd.s32 $0xFFFFF3C0  }
0x1d: {  	_ =	swait.ge [sflag:s30], $0x280  }
0x1e: {  	[sflag:s30] =	ssyncset.done $0x0  }
0x1f: {  	s31 =	simm.s32 $0x18C0;
	[sflag:s30] =	ssyncadd.s32 $0xFFFFFD80  }
0x20: {  	v0 =	vld [tilespmem:s31+$0x30]  }
0x21: {  	v1 =	vld [tilespmem:s31+$0xFFFFFFD0]  }
0x22: {  	v2 =	vld [tilespmem:s31+$0xFFFFFFE0]  }
0x23: {  	v3 =	vld [tilespmem:s31+$0xFFFFFFF0]  }
0x24: {  	v4 =	vld [tilespmem:s31+$0x0]  }
0x25: {  	v5 =	vld [tilespmem:s31+$0x10]  }
0x26: {  	v6 =	vld [tilespmem:s31+$0x20]  }
0x27: {  	s6 =	simm.s32 $0x3140;
	v7 =	vld [tilespmem:s31+$0xFFFFFFC0]  }
0x28: {  	v8 =	vld [tilespmem:s6+$0x30]  }
0x29: {  	v9 =	vld [tilespmem:s6+$0xFFFFFFC0]  }
0x2a: {  	v10 =	vld [tilespmem:s6+$0xFFFFFFD0]  }
0x2b: {  	v12 =	vld [tilespmem:s6+$0xFFFFFFF0]  }
0x2c: {  	v0 =	vld.idx.msk [tilespmem:v0+s5+$0x0], $0xffff  }
0x2d: {  	v1 =	vld.idx.msk [tilespmem:v1+s5+$0x0], $0xffff  }
0x2e: {  	v2 =	vld.idx.msk [tilespmem:v2+s5+$0x0], $0xffff  }
0x2f: {  	v3 =	vld.idx.msk [tilespmem:v3+s5+$0x0], $0xffff  }
0x30: {  	v4 =	vld.idx.msk [tilespmem:v4+s5+$0x0], $0xffff  }
0x31: {  	v7 =	vld.idx.msk [tilespmem:v7+s5+$0x0], $0xffff  }
0x32: {  	v5 =	vld.idx.msk [tilespmem:v5+s5+$0x0], $0xffff  }
0x33: {  	v6 =	vld.idx.msk [tilespmem:v6+s5+$0x0], $0xffff  }
0x34: {  	v13 =	vld [tilespmem:s6+$0x0];
	v0 =	vtrunc.f32 v0;
	v1 =	vtrunc.f32 v1  }
0x35: {  	s7 =	simm.s32 $0x40;
	v14 =	vld [tilespmem:s6+$0x10];
	v2 =	vtrunc.f32 v2;
	v3 =	vtrunc.f32 v3  }
0x36: {  	v16 =	vld [tilespmem:s7+$0xFFFFFFC0];
	v4 =	vtrunc.f32 v4;
	v7 =	vtrunc.f32 v7  }
0x37: {  	v17 =	vld [tilespmem:s7+$0xFFFFFFD0];
	v5 =	vtrunc.f32 v5;
	v0 =	vcvt.f32.s32 v0  }
0x38: {  	v19 =	vld [tilespmem:s7+$0xFFFFFFE0];
	v6 =	vtrunc.f32 v6;
	v1 =	vcvt.f32.s32 v1  }
0x39: {  	v21 =	vld [tilespmem:s7+$0xFFFFFFF0];
	v2 =	vcvt.f32.s32 v2;
	v3 =	vcvt.f32.s32 v3;
	v0 =	vshll.u32 v0, $0x4  }
0x3a: {  	v22 =	vld [tilespmem:s7+$0x0];
	v4 =	vcvt.f32.s32 v4;
	v7 =	vcvt.f32.s32 v7;
	v0 =	vadd.s32 v8, v0  }
0x3b: {  	v5 =	vcvt.f32.s32 v5;
	v1 =	vshll.u32 v1, $0x4;
	v8 =	vld [tilespmem:s6+$0xFFFFFFE0];
	v11 =	vadd.s32 $0x200, v0  }
0x3c: {  	v23 =	vld [tilespmem:s7+$0x10];
	v3 =	vshll.u32 v3, $0x4;
	v1 =	vadd.s32 v10, v1;
	v0 =	vadd.s32 $0x240, v0  }
0x3d: {  	v25 =	vld [tilespmem:s7+$0x20];
	v4 =	vshll.u32 v4, $0x4;
	v3 =	vadd.s32 v12, v3;
	v15 =	vadd.s32 $0x200, v1  }
0x3e: {  	v7 =	vshll.u32 v7, $0x4;
	v10 =	vld [tilespmem:s6+$0x20];
	v4 =	vadd.s32 v13, v4;
	v13 =	vadd.s32 $0x200, v3  }
0x3f: {  	v2 =	vshll.u32 v2, $0x4;
	v7 =	vadd.s32 v9, v7;
	v9 =	vld [tilespmem:s7+$0x30];
	v18 =	vadd.s32 $0x200, v4  }
0x40: {  	v6 =	vcvt.f32.s32 v6;
	v2 =	vadd.s32 v8, v2;
	v8 =	vadd.s32 $0x200, v7;
	v11 =	vld.idx.msk [tilespmem:v11+s5+$0x0], $0xffff  }
0x41: {  	v5 =	vshll.u32 v5, $0x4;
	v7 =	vadd.s32 $0x240, v7;
	v0 =	vld.idx.msk [tilespmem:v0+s5+$0x0], $0xffff  }
0x42: {  	v6 =	vshll.u32 v6, $0x4;
	v5 =	vadd.s32 v14, v5;
	v12 =	vadd.s32 $0x200, v2;
	v14 =	vld.idx.msk [tilespmem:v15+s5+$0x0], $0xffff  }
0x43: {  	v6 =	vadd.s32 v10, v6;
	v15 =	vadd.s32 $0x200, v5;
	v13 =	vld.idx.msk [tilespmem:v13+s5+$0x0], $0xffff  }
0x44: {  	v10 =	vadd.s32 $0x200, v6;
	v18 =	vld.idx.msk [tilespmem:v18+s5+$0x0], $0xffff  }
0x45: {  	v1 =	vadd.s32 $0x240, v1;
	v8 =	vld.idx.msk [tilespmem:v8+s5+$0x0], $0xffff  }
0x46: {  	v2 =	vadd.s32 $0x240, v2;
	v27 =	vld.idx.msk [tilespmem:v7+s5+$0x0], $0xffff  }
0x47: {  	v26 =	vadd.s32 $0x240, v5;
	v12 =	vld.idx.msk [tilespmem:v12+s5+$0x0], $0xffff  }
0x48: {  	v3 =	vadd.s32 $0x240, v3;
	v15 =	vld.idx.msk [tilespmem:v15+s5+$0x0], $0xffff  }
0x49: {  	v24 =	vadd.s32 $0x240, v4;
	v20 =	vld.idx.msk [tilespmem:v10+s5+$0x0], $0xffff  }
0x4a: {  	v5 =	vmul.f32 v9, v11;
	v11 =	vadd.s32 $0x240, v6;
	v10 =	vld.idx.msk [tilespmem:v1+s5+$0x0], $0xffff  }
0x4b: {  	v4 =	vld.idx.msk [tilespmem:v2+s5+$0x0], $0xffff  }
0x4c: {  	v7 =	vmul.f32 v21, v13;
	v9 =	vld.idx.msk [tilespmem:v26+s5+$0x0], $0xffff;
	v2 =	vadd.f32 v5, v0  }
0x4d: {  	s8 =	simm.s32 $0x4C40;
	v0 =	vmul.f32 v17, v14;
	v5 =	vld.idx.msk [tilespmem:v3+s5+$0x0], $0xffff;
	v14 =	vmul.f32 v16, v8  }
0x4e: {  	v3 =	vmul.f32 v22, v18;
	v8 =	vld.idx.msk [tilespmem:v24+s5+$0x0], $0xffff;
	[tilespmem:s8+$0x30] =	vst v2;
	v1 =	vmul.f32 v19, v12  }
0x4f: {  	s3 =	sadd.s32 $0x3600, s3;
	s10 =	simm.s32 $0x1940;
	s9 =	simm.s32 $0x0;
	v6 =	vmul.f32 v23, v15;
	v2 =	vmul.f32 v25, v20;
	v11 =	vld.idx.msk [tilespmem:v11+s5+$0x0], $0xffff;
	v12 =	vadd.f32 v14, v27  }
.LBB2_1:
0x50: {  	v13 =	vld [tilespmem:s10+$0x30];
	s9 =	sadd.s32 $0x80, s9;
	v0 =	vadd.f32 v0, v10  }
0x51: {  	v1 =	vadd.f32 v1, v4;
	v10 =	vld [tilespmem:s10+$0xFFFFFFD0];
	p0 =	slt.u32 s9, $0xB80;
	[tilespmem:s8+$0xFFFFFFC0] =	vst v12  }
0x52: {  	v4 =	vld [tilespmem:s10+$0xFFFFFFE0];
	[tilespmem:s8+$0xFFFFFFD0] =	vst v0;
	v0 =	vadd.f32 v7, v5  }
0x53: {  	v5 =	vld [tilespmem:s10+$0xFFFFFFF0];
	[tilespmem:s8+$0xFFFFFFE0] =	vst v1;
	v1 =	vadd.f32 v3, v8  }
0x54: {  	v3 =	vld [tilespmem:s10+$0x0];
	[tilespmem:s8+$0xFFFFFFF0] =	vst v0;
	v0 =	vadd.f32 v6, v9  }
0x55: {  	v6 =	vld [tilespmem:s10+$0x10];
	[tilespmem:s8+$0x0] =	vst v1;
	v1 =	vadd.f32 v2, v11  }
0x56: {  	v2 =	vld [tilespmem:s10+$0x20];
	[tilespmem:s8+$0x10] =	vst v0  }
0x57: {  	v0 =	vld [tilespmem:s10+$0xFFFFFFC0];
	[tilespmem:s8+$0x20] =	vst v1  }
0x58: {  	v1 =	vld.idx.msk [tilespmem:v13+s5+$0x0], $0xffff  }
0x59: {  	v7 =	vld.idx.msk [tilespmem:v10+s5+$0x0], $0xffff  }
0x5a: {  	v4 =	vld.idx.msk [tilespmem:v4+s5+$0x0], $0xffff  }
0x5b: {  	v5 =	vld.idx.msk [tilespmem:v5+s5+$0x0], $0xffff  }
0x5c: {  	s6 =	sadd.s32 $0x80, s6;
	v3 =	vld.idx.msk [tilespmem:v3+s5+$0x0], $0xffff  }
0x5d: {  	v8 =	vld [tilespmem:s6+$0x30]  }
0x5e: {  	v1 =	vtrunc.f32 v1;
	v6 =	vld.idx.msk [tilespmem:v6+s5+$0x0], $0xffff  }
0x5f: {  	v7 =	vtrunc.f32 v7;
	v1 =	vcvt.f32.s32 v1;
	v0 =	vld.idx.msk [tilespmem:v0+s5+$0x0], $0xffff  }
0x60: {  	v7 =	vcvt.f32.s32 v7;
	v4 =	vtrunc.f32 v4;
	v2 =	vld.idx.msk [tilespmem:v2+s5+$0x0], $0xffff  }
0x61: {  	v4 =	vcvt.f32.s32 v4;
	v5 =	vtrunc.f32 v5;
	v1 =	vshll.u32 v1, $0x4;
	v9 =	vld [tilespmem:s6+$0xFFFFFFC0]  }
0x62: {  	v5 =	vcvt.f32.s32 v5;
	v3 =	vtrunc.f32 v3;
	v10 =	vld [tilespmem:s6+$0xFFFFFFD0];
	v1 =	vadd.s32 v8, v1  }
0x63: {  	v7 =	vshll.u32 v7, $0x4;
	v3 =	vcvt.f32.s32 v3;
	v8 =	vld [tilespmem:s6+$0xFFFFFFE0];
	v11 =	vadd.s32 $0x200, v1  }
0x64: {  	v4 =	vshll.u32 v4, $0x4;
	v5 =	vshll.u32 v5, $0x4;
	v6 =	vtrunc.f32 v6;
	v12 =	vld [tilespmem:s6+$0xFFFFFFF0]  }
0x65: {  	v1 =	vadd.s32 $0x240, v1;
	v0 =	vtrunc.f32 v0;
	v6 =	vcvt.f32.s32 v6;
	v13 =	vld [tilespmem:s6+$0x0]  }
0x66: {  	v3 =	vshll.u32 v3, $0x4;
	v0 =	vcvt.f32.s32 v0;
	v2 =	vtrunc.f32 v2;
	v14 =	vld [tilespmem:s6+$0x10]  }
0x67: {  	v6 =	vshll.u32 v6, $0x4;
	v2 =	vcvt.f32.s32 v2;
	v7 =	vadd.s32 v10, v7;
	v10 =	vld [tilespmem:s6+$0x20]  }
0x68: {  	s7 =	sadd.s32 $0x80, s7;
	v0 =	vshll.u32 v0, $0x4;
	v15 =	vadd.s32 $0x200, v7;
	v4 =	vadd.s32 v8, v4;
	v8 =	vld.idx.msk [tilespmem:v11+s5+$0x0], $0xffff  }
0x69: {  	v0 =	vadd.s32 v9, v0;
	v2 =	vshll.u32 v2, $0x4;
	v5 =	vadd.s32 v12, v5;
	v9 =	vld [tilespmem:s7+$0x30]  }
0x6a: {  	v11 =	vadd.s32 $0x200, v0;
	v12 =	vadd.s32 $0x200, v4;
	v3 =	vadd.s32 v13, v3;
	v1 =	vld.idx.msk [tilespmem:v1+s5+$0x0], $0xffff  }
0x6b: {  	v16 =	vadd.s32 $0x200, v5;
	v13 =	vld [tilespmem:s7+$0xFFFFFFC0];
	v17 =	vadd.s32 $0x200, v3;
	v6 =	vadd.s32 v14, v6  }
0x6c: {  	v14 =	vadd.s32 $0x240, v0;
	v0 =	vld [tilespmem:s7+$0xFFFFFFD0];
	v18 =	vadd.s32 $0x200, v6;
	v2 =	vadd.s32 v10, v2  }
0x6d: {  	v7 =	vadd.s32 $0x240, v7;
	v4 =	vadd.s32 $0x240, v4;
	v10 =	vld.idx.msk [tilespmem:v15+s5+$0x0], $0xffff;
	v15 =	vadd.s32 $0x200, v2  }
0x6e: {  	v5 =	vadd.s32 $0x240, v5;
	v20 =	vadd.s32 $0x240, v3;
	v19 =	vld [tilespmem:s7+$0xFFFFFFE0];
	v3 =	vmul.f32 v9, v8  }
0x6f: {  	v9 =	vadd.s32 $0x240, v6;
	v8 =	vld.idx.msk [tilespmem:v11+s5+$0x0], $0xffff;
	v11 =	vadd.s32 $0x240, v2  }
0x70: {  	v2 =	vld.idx.msk [tilespmem:v12+s5+$0x0], $0xffff;
	v1 =	vadd.f32 v3, v1  }
0x71: {  	s8 =	sadd.s32 $0x80, s8;
	v3 =	vld.idx.msk [tilespmem:v16+s5+$0x0], $0xffff  }
0x72: {  	v6 =	vld.idx.msk [tilespmem:v17+s5+$0x0], $0xffff;
	[tilespmem:s8+$0x30] =	vst v1  }
0x73: {  	v0 =	vmul.f32 v0, v10;
	v12 =	vld.idx.msk [tilespmem:v18+s5+$0x0], $0xffff  }
0x74: {  	v15 =	vld.idx.msk [tilespmem:v15+s5+$0x0], $0xffff  }
0x75: {  	v13 =	vmul.f32 v13, v8;
	v8 =	vld [tilespmem:s7+$0xFFFFFFF0]  }
0x76: {  	v1 =	vmul.f32 v19, v2;
	v2 =	vld [tilespmem:s7+$0x0]  }
0x77: {  	v16 =	vld [tilespmem:s7+$0x10]  }
0x78: {  	v17 =	vld [tilespmem:s7+$0x20]  }
0x79: {  	v14 =	vld.idx.msk [tilespmem:v14+s5+$0x0], $0xffff  }
0x7a: {  	v10 =	vld.idx.msk [tilespmem:v7+s5+$0x0], $0xffff;
	v7 =	vmul.f32 v8, v3  }
.Ltmp0:
0x7b: {  	v4 =	vld.idx.msk [tilespmem:v4+s5+$0x0], $0xffff;
	v3 =	vmul.f32 v2, v6;
	(pc) =	sbr.rel @p0 .LBB2_1-.Ltmp0, $4  }
0x7c: {  	v5 =	vld.idx.msk [tilespmem:v5+s5+$0x0], $0xffff;
	v6 =	vmul.f32 v16, v12  }
0x7d: {  	v8 =	vld.idx.msk [tilespmem:v20+s5+$0x0], $0xffff;
	v2 =	vmul.f32 v17, v15  }
0x7e: {  	v9 =	vld.idx.msk [tilespmem:v9+s5+$0x0], $0xffff  }
0x7f: {  	s10 =	sadd.s32 $0x80, s10;
	v12 =	vadd.f32 v13, v14;
	v11 =	vld.idx.msk [tilespmem:v11+s5+$0x0], $0xffff  }
0x80: {  	v0 =	vadd.f32 v0, v10  }
0x81: {  	v1 =	vadd.f32 v1, v4;
	[tilespmem:s8+$0xFFFFFFC0] =	vst v12  }
0x82: {  	v60 =	vadd.f32 v7, v5;
	[tilespmem:s8+$0xFFFFFFD0] =	vst v0  }
0x83: {  	[tilespmem:s8+$0xFFFFFFE0] =	vst v1;
	v61 =	vadd.f32 v3, v8  }
0x84: {  	[tilespmem:s8+$0xFFFFFFF0] =	vst v60;
	v62 =	vadd.f32 v6, v9  }
0x85: {  	[tilespmem:s8+$0x0] =	vst v61;
	v63 =	vadd.f32 v2, v11  }
0x86: {  	s5 =	simm.s32 $0xBF0;
	s6 =	simm.s32 $0x5800;
	s7 =	simm.s32 $0xC00;
	[tilespmem:s8+$0x10] =	vst v62  }
0x87: {  	s9 =	simm.s32 $0x2480;
	s10 =	simm.s32 $0x4980;
	[tilespmem:s8+$0x20] =	vst v63;
	s8 =	simm.s32 $0x3D00  }
.LBB2_3:
0x88: {  	v0 =	vld [tilespmem:s9+$0x0];
	_ =	sdelay $0x7  }
0x89: {  	v0 =	vld.idx.msk [tilespmem:v0+s10+$0x0], $0xffff;
	_ =	sdelay $0x3  }
0x8a: {  	v1 =	vld [tilespmem:s8+$0x0]  }
0x8b: {  	v0 =	vtrunc.f32 v0  }
0x8c: {  	v0 =	vcvt.f32.s32 v0;
	_ =	sdelay $0x1  }
0x8d: {  	v0 =	vshll.u32 v0, $0x4  }
0x8e: {  	v0 =	vadd.s32 v1, v0  }
0x8f: {  	v1 =	vadd.s32 $0x200, v0;
	_ =	sdelay $0x1  }
0x90: {  	v0 =	vadd.s32 $0x240, v0;
	_ =	sdelay $0x1  }
0x91: {  	v2 =	vld [tilespmem:s7+$0x0]  }
0x92: {  	v1 =	vld.idx.msk [tilespmem:v1+s10+$0x0], $0xffff;
	_ =	sdelay $0x1  }
0x93: {  	v0 =	vld.idx.msk [tilespmem:v0+s10+$0x0], $0xffff  }
0x94: {  	s5 =	sadd.s32 $0x10, s5  }
0x95: {  	p0 =	slt.u32 s5, $0xC30  }
.Ltmp1:
0x96: {  	v1 =	vmul.f32 v2, v1;
	(pc) =	sbr.rel @p0 .LBB2_3-.Ltmp1, $4  }
0x97: {  	_ = 	snop  }
0x98: {  	v0 =	vadd.f32 v1, v0  }
0x99: {  	s7 =	sadd.s32 $0x10, s7  }
0x9a: {  	s8 =	sadd.s32 $0x10, s8;
	s9 =	sadd.s32 $0x10, s9;
	[tilespmem:s6+$0x0] =	vst v0;
	s6 =	sadd.s32 $0x10, s6  }
0x9b: {  	s4 =	sadd.s32 s3, s4  }
0x9c: {  	s5 =	simm.s32 $0x0;
	s6 =	simm.s32 $0x4C00;
	s30 =	simm.s32 $0x2  }
0x9d: {  	[hbm4b:s4+s5] =	stream.linear.scatter [tilespmem:s6], [sflag:$0x3], $0xC40, $0x38;
	[tilespmem:$0x6480] =	vst v63  }
0x9e: {  	_ =	swait.ge [sflag:s30], $0xC40  }
0x9f: {  	[sflag:s30] =	ssyncset.done $0x0  }
0xa0: {  	[sflag:s30] =	ssyncadd.s32 $0xFFFFF3C0  }
0xa1: {  	_ =	swait.ge [sflag:s30], $0xC40  }
0xa2: {  	[sflag:s30] =	ssyncset.done $0x0  }
0xa3: {  	[sflag:s30] =	ssyncadd.s32 $0xFFFFF3C0  }
0xa4: {  	_ =	swait.ge [sflag:s30], $0xC40  }
0xa5: {  	[sflag:s30] =	ssyncset.done $0x0  }
0xa6: {  	s31 =	simm.s32 $0x2530;
	[sflag:s30] =	ssyncadd.s32 $0xFFFFF3C0  }
0xa7: {  	v0 =	vld [tilespmem:s31+$0x0]  }
0xa8: {  	v1 =	vld [tilespmem:s31+$0xFFFFFFA0]  }
0xa9: {  	v2 =	vld [tilespmem:s31+$0xFFFFFFB0]  }
0xaa: {  	v3 =	vld [tilespmem:s31+$0xFFFFFFC0]  }
0xab: {  	v4 =	vld [tilespmem:s31+$0xFFFFFFD0]  }
0xac: {  	v5 =	vld [tilespmem:s31+$0xFFFFFFE0]  }
0xad: {  	v6 =	vld [tilespmem:s31+$0xFFFFFFF0]  }
0xae: {  	s5 =	simm.s32 $0x3DB0;
	v7 =	vld [tilespmem:s31+$0xFFFFFF90]  }
0xaf: {  	v8 =	vld [tilespmem:s5+$0x0]  }
0xb0: {  	v9 =	vld [tilespmem:s5+$0xFFFFFF90]  }
0xb1: {  	v10 =	vld [tilespmem:s5+$0xFFFFFFA0]  }
0xb2: {  	s4 =	simm.s32 $0x4980;
	v12 =	vld [tilespmem:s5+$0xFFFFFFC0]  }
0xb3: {  	v0 =	vld.idx.msk [tilespmem:v0+s4+$0x0], $0xffff  }
0xb4: {  	v1 =	vld.idx.msk [tilespmem:v1+s4+$0x0], $0xffff  }
0xb5: {  	v2 =	vld.idx.msk [tilespmem:v2+s4+$0x0], $0xffff  }
0xb6: {  	v3 =	vld.idx.msk [tilespmem:v3+s4+$0x0], $0xffff  }
0xb7: {  	v4 =	vld.idx.msk [tilespmem:v4+s4+$0x0], $0xffff  }
0xb8: {  	v7 =	vld.idx.msk [tilespmem:v7+s4+$0x0], $0xffff  }
0xb9: {  	v5 =	vld.idx.msk [tilespmem:v5+s4+$0x0], $0xffff  }
0xba: {  	v6 =	vld.idx.msk [tilespmem:v6+s4+$0x0], $0xffff  }
0xbb: {  	v13 =	vld [tilespmem:s5+$0xFFFFFFD0];
	v0 =	vtrunc.f32 v0;
	v1 =	vtrunc.f32 v1  }
0xbc: {  	s6 =	simm.s32 $0xCB0;
	v14 =	vld [tilespmem:s5+$0xFFFFFFE0];
	v2 =	vtrunc.f32 v2;
	v3 =	vtrunc.f32 v3  }
0xbd: {  	v16 =	vld [tilespmem:s6+$0xFFFFFF90];
	v4 =	vtrunc.f32 v4;
	v7 =	vtrunc.f32 v7  }
0xbe: {  	v17 =	vld [tilespmem:s6+$0xFFFFFFA0];
	v5 =	vtrunc.f32 v5;
	v0 =	vcvt.f32.s32 v0  }
0xbf: {  	v19 =	vld [tilespmem:s6+$0xFFFFFFB0];
	v6 =	vtrunc.f32 v6;
	v1 =	vcvt.f32.s32 v1  }
0xc0: {  	v21 =	vld [tilespmem:s6+$0xFFFFFFC0];
	v2 =	vcvt.f32.s32 v2;
	v3 =	vcvt.f32.s32 v3;
	v0 =	vshll.u32 v0, $0x4  }
0xc1: {  	v22 =	vld [tilespmem:s6+$0xFFFFFFD0];
	v4 =	vcvt.f32.s32 v4;
	v7 =	vcvt.f32.s32 v7;
	v0 =	vadd.s32 v8, v0  }
0xc2: {  	v5 =	vcvt.f32.s32 v5;
	v1 =	vshll.u32 v1, $0x4;
	v8 =	vld [tilespmem:s5+$0xFFFFFFB0];
	v11 =	vadd.s32 $0x200, v0  }
0xc3: {  	v23 =	vld [tilespmem:s6+$0xFFFFFFE0];
	v3 =	vshll.u32 v3, $0x4;
	v1 =	vadd.s32 v10, v1;
	v0 =	vadd.s32 $0x240, v0  }
0xc4: {  	v24 =	vld [tilespmem:s6+$0xFFFFFFF0];
	v4 =	vshll.u32 v4, $0x4;
	v3 =	vadd.s32 v12, v3;
	v15 =	vadd.s32 $0x200, v1  }
0xc5: {  	v7 =	vshll.u32 v7, $0x4;
	v10 =	vld [tilespmem:s5+$0xFFFFFFF0];
	v4 =	vadd.s32 v13, v4;
	v13 =	vadd.s32 $0x200, v3  }
0xc6: {  	v2 =	vshll.u32 v2, $0x4;
	v7 =	vadd.s32 v9, v7;
	v9 =	vld [tilespmem:s6+$0x0];
	v18 =	vadd.s32 $0x200, v4  }
0xc7: {  	v6 =	vcvt.f32.s32 v6;
	v2 =	vadd.s32 v8, v2;
	v8 =	vadd.s32 $0x200, v7;
	v11 =	vld.idx.msk [tilespmem:v11+s4+$0x0], $0xffff  }
0xc8: {  	v5 =	vshll.u32 v5, $0x4;
	v7 =	vadd.s32 $0x240, v7;
	v0 =	vld.idx.msk [tilespmem:v0+s4+$0x0], $0xffff  }
0xc9: {  	v6 =	vshll.u32 v6, $0x4;
	v5 =	vadd.s32 v14, v5;
	v12 =	vadd.s32 $0x200, v2;
	v14 =	vld.idx.msk [tilespmem:v15+s4+$0x0], $0xffff  }
0xca: {  	v6 =	vadd.s32 v10, v6;
	v15 =	vadd.s32 $0x200, v5;
	v13 =	vld.idx.msk [tilespmem:v13+s4+$0x0], $0xffff  }
0xcb: {  	v10 =	vadd.s32 $0x200, v6;
	v18 =	vld.idx.msk [tilespmem:v18+s4+$0x0], $0xffff  }
0xcc: {  	v1 =	vadd.s32 $0x240, v1;
	v8 =	vld.idx.msk [tilespmem:v8+s4+$0x0], $0xffff  }
0xcd: {  	v2 =	vadd.s32 $0x240, v2;
	v26 =	vld.idx.msk [tilespmem:v7+s4+$0x0], $0xffff  }
0xce: {  	v3 =	vadd.s32 $0x240, v3;
	v12 =	vld.idx.msk [tilespmem:v12+s4+$0x0], $0xffff  }
0xcf: {  	v25 =	vadd.s32 $0x240, v5;
	v15 =	vld.idx.msk [tilespmem:v15+s4+$0x0], $0xffff  }
0xd0: {  	v4 =	vadd.s32 $0x240, v4;
	v20 =	vld.idx.msk [tilespmem:v10+s4+$0x0], $0xffff  }
0xd1: {  	v7 =	vmul.f32 v9, v11;
	v11 =	vadd.s32 $0x240, v6;
	v10 =	vld.idx.msk [tilespmem:v1+s4+$0x0], $0xffff  }
0xd2: {  	v5 =	vld.idx.msk [tilespmem:v2+s4+$0x0], $0xffff  }
0xd3: {  	v6 =	vld.idx.msk [tilespmem:v3+s4+$0x0], $0xffff;
	v3 =	vmul.f32 v22, v18;
	v2 =	vadd.f32 v7, v0  }
0xd4: {  	s7 =	simm.s32 $0x58B0;
	v9 =	vld.idx.msk [tilespmem:v25+s4+$0x0], $0xffff;
	v0 =	vmul.f32 v17, v14;
	v14 =	vmul.f32 v16, v8  }
0xd5: {  	v7 =	vmul.f32 v21, v13;
	v8 =	vld.idx.msk [tilespmem:v4+s4+$0x0], $0xffff;
	[tilespmem:s7+$0x0] =	vst v2;
	v1 =	vmul.f32 v19, v12  }
0xd6: {  	s8 =	simm.s32 $0xC40;
	s9 =	simm.s32 $0x25B0;
	v4 =	vmul.f32 v23, v15;
	v2 =	vmul.f32 v24, v20;
	v11 =	vld.idx.msk [tilespmem:v11+s4+$0x0], $0xffff;
	v12 =	vadd.f32 v14, v26  }
.LBB2_5:
0xd7: {  	v13 =	vld [tilespmem:s9+$0x0];
	s8 =	sadd.s32 $0x80, s8;
	v0 =	vadd.f32 v0, v10  }
0xd8: {  	v1 =	vadd.f32 v1, v5;
	v10 =	vld [tilespmem:s9+$0xFFFFFFA0];
	p0 =	slt.u32 s8, $0x17C0;
	[tilespmem:s7+$0xFFFFFF90] =	vst v12  }
0xd9: {  	v5 =	vld [tilespmem:s9+$0xFFFFFFB0];
	[tilespmem:s7+$0xFFFFFFA0] =	vst v0;
	v0 =	vadd.f32 v7, v6  }
0xda: {  	v6 =	vld [tilespmem:s9+$0xFFFFFFC0];
	[tilespmem:s7+$0xFFFFFFB0] =	vst v1;
	v1 =	vadd.f32 v3, v8  }
0xdb: {  	v3 =	vld [tilespmem:s9+$0xFFFFFFD0];
	[tilespmem:s7+$0xFFFFFFC0] =	vst v0;
	v0 =	vadd.f32 v4, v9  }
0xdc: {  	v4 =	vld [tilespmem:s9+$0xFFFFFFE0];
	[tilespmem:s7+$0xFFFFFFD0] =	vst v1;
	v1 =	vadd.f32 v2, v11  }
0xdd: {  	v2 =	vld [tilespmem:s9+$0xFFFFFFF0];
	[tilespmem:s7+$0xFFFFFFE0] =	vst v0  }
0xde: {  	v0 =	vld [tilespmem:s9+$0xFFFFFF90];
	[tilespmem:s7+$0xFFFFFFF0] =	vst v1  }
0xdf: {  	v1 =	vld.idx.msk [tilespmem:v13+s4+$0x0], $0xffff  }
0xe0: {  	v7 =	vld.idx.msk [tilespmem:v10+s4+$0x0], $0xffff  }
0xe1: {  	v5 =	vld.idx.msk [tilespmem:v5+s4+$0x0], $0xffff  }
0xe2: {  	v6 =	vld.idx.msk [tilespmem:v6+s4+$0x0], $0xffff  }
0xe3: {  	s5 =	sadd.s32 $0x80, s5;
	v3 =	vld.idx.msk [tilespmem:v3+s4+$0x0], $0xffff  }
0xe4: {  	v8 =	vld [tilespmem:s5+$0x0]  }
0xe5: {  	v1 =	vtrunc.f32 v1;
	v4 =	vld.idx.msk [tilespmem:v4+s4+$0x0], $0xffff  }
0xe6: {  	v7 =	vtrunc.f32 v7;
	v1 =	vcvt.f32.s32 v1;
	v0 =	vld.idx.msk [tilespmem:v0+s4+$0x0], $0xffff  }
0xe7: {  	v7 =	vcvt.f32.s32 v7;
	v5 =	vtrunc.f32 v5;
	v2 =	vld.idx.msk [tilespmem:v2+s4+$0x0], $0xffff  }
0xe8: {  	v5 =	vcvt.f32.s32 v5;
	v6 =	vtrunc.f32 v6;
	v1 =	vshll.u32 v1, $0x4;
	v9 =	vld [tilespmem:s5+$0xFFFFFF90]  }
0xe9: {  	v6 =	vcvt.f32.s32 v6;
	v3 =	vtrunc.f32 v3;
	v10 =	vld [tilespmem:s5+$0xFFFFFFA0];
	v1 =	vadd.s32 v8, v1  }
0xea: {  	v7 =	vshll.u32 v7, $0x4;
	v3 =	vcvt.f32.s32 v3;
	v8 =	vld [tilespmem:s5+$0xFFFFFFB0];
	v11 =	vadd.s32 $0x200, v1  }
0xeb: {  	v5 =	vshll.u32 v5, $0x4;
	v6 =	vshll.u32 v6, $0x4;
	v4 =	vtrunc.f32 v4;
	v12 =	vld [tilespmem:s5+$0xFFFFFFC0]  }
0xec: {  	v1 =	vadd.s32 $0x240, v1;
	v0 =	vtrunc.f32 v0;
	v4 =	vcvt.f32.s32 v4;
	v13 =	vld [tilespmem:s5+$0xFFFFFFD0]  }
0xed: {  	v3 =	vshll.u32 v3, $0x4;
	v0 =	vcvt.f32.s32 v0;
	v2 =	vtrunc.f32 v2;
	v14 =	vld [tilespmem:s5+$0xFFFFFFE0]  }
0xee: {  	v4 =	vshll.u32 v4, $0x4;
	v2 =	vcvt.f32.s32 v2;
	v7 =	vadd.s32 v10, v7;
	v10 =	vld [tilespmem:s5+$0xFFFFFFF0]  }
0xef: {  	s6 =	sadd.s32 $0x80, s6;
	v0 =	vshll.u32 v0, $0x4;
	v15 =	vadd.s32 $0x200, v7;
	v5 =	vadd.s32 v8, v5;
	v8 =	vld.idx.msk [tilespmem:v11+s4+$0x0], $0xffff  }
0xf0: {  	v0 =	vadd.s32 v9, v0;
	v2 =	vshll.u32 v2, $0x4;
	v6 =	vadd.s32 v12, v6;
	v9 =	vld [tilespmem:s6+$0x0]  }
0xf1: {  	v11 =	vadd.s32 $0x200, v0;
	v12 =	vadd.s32 $0x200, v5;
	v3 =	vadd.s32 v13, v3;
	v1 =	vld.idx.msk [tilespmem:v1+s4+$0x0], $0xffff  }
0xf2: {  	v16 =	vadd.s32 $0x200, v6;
	v13 =	vld [tilespmem:s6+$0xFFFFFF90];
	v17 =	vadd.s32 $0x200, v3;
	v4 =	vadd.s32 v14, v4  }
0xf3: {  	v14 =	vadd.s32 $0x240, v0;
	v0 =	vld [tilespmem:s6+$0xFFFFFFA0];
	v18 =	vadd.s32 $0x200, v4;
	v2 =	vadd.s32 v10, v2  }
0xf4: {  	v7 =	vadd.s32 $0x240, v7;
	v5 =	vadd.s32 $0x240, v5;
	v10 =	vld.idx.msk [tilespmem:v15+s4+$0x0], $0xffff;
	v15 =	vadd.s32 $0x200, v2  }
0xf5: {  	v6 =	vadd.s32 $0x240, v6;
	v20 =	vadd.s32 $0x240, v3;
	v19 =	vld [tilespmem:s6+$0xFFFFFFB0];
	v3 =	vmul.f32 v9, v8  }
0xf6: {  	v9 =	vadd.s32 $0x240, v4;
	v8 =	vld.idx.msk [tilespmem:v11+s4+$0x0], $0xffff;
	v11 =	vadd.s32 $0x240, v2  }
0xf7: {  	v2 =	vld.idx.msk [tilespmem:v12+s4+$0x0], $0xffff;
	v1 =	vadd.f32 v3, v1  }
0xf8: {  	s7 =	sadd.s32 $0x80, s7;
	v3 =	vld.idx.msk [tilespmem:v16+s4+$0x0], $0xffff  }
0xf9: {  	v4 =	vld.idx.msk [tilespmem:v17+s4+$0x0], $0xffff;
	[tilespmem:s7+$0x0] =	vst v1  }
0xfa: {  	v0 =	vmul.f32 v0, v10;
	v12 =	vld.idx.msk [tilespmem:v18+s4+$0x0], $0xffff  }
0xfb: {  	v15 =	vld.idx.msk [tilespmem:v15+s4+$0x0], $0xffff  }
0xfc: {  	v13 =	vmul.f32 v13, v8;
	v8 =	vld [tilespmem:s6+$0xFFFFFFC0]  }
0xfd: {  	v1 =	vmul.f32 v19, v2;
	v2 =	vld [tilespmem:s6+$0xFFFFFFD0]  }
0xfe: {  	v16 =	vld [tilespmem:s6+$0xFFFFFFE0]  }
0xff: {  	v17 =	vld [tilespmem:s6+$0xFFFFFFF0]  }
0x100: {  	v14 =	vld.idx.msk [tilespmem:v14+s4+$0x0], $0xffff  }
0x101: {  	v10 =	vld.idx.msk [tilespmem:v7+s4+$0x0], $0xffff;
	v7 =	vmul.f32 v8, v3  }
.Ltmp2:
0x102: {  	v5 =	vld.idx.msk [tilespmem:v5+s4+$0x0], $0xffff;
	v3 =	vmul.f32 v2, v4;
	(pc) =	sbr.rel @p0 .LBB2_5-.Ltmp2, $4  }
0x103: {  	v6 =	vld.idx.msk [tilespmem:v6+s4+$0x0], $0xffff;
	v4 =	vmul.f32 v16, v12  }
0x104: {  	v8 =	vld.idx.msk [tilespmem:v20+s4+$0x0], $0xffff;
	v2 =	vmul.f32 v17, v15  }
0x105: {  	v9 =	vld.idx.msk [tilespmem:v9+s4+$0x0], $0xffff  }
0x106: {  	s9 =	sadd.s32 $0x80, s9;
	v12 =	vadd.f32 v13, v14;
	v11 =	vld.idx.msk [tilespmem:v11+s4+$0x0], $0xffff  }
0x107: {  	v0 =	vadd.f32 v0, v10  }
0x108: {  	v1 =	vadd.f32 v1, v5;
	[tilespmem:s7+$0xFFFFFF90] =	vst v12  }
0x109: {  	v60 =	vadd.f32 v7, v6;
	[tilespmem:s7+$0xFFFFFFA0] =	vst v0  }
0x10a: {  	[tilespmem:s7+$0xFFFFFFB0] =	vst v1;
	v61 =	vadd.f32 v3, v8  }
0x10b: {  	[tilespmem:s7+$0xFFFFFFC0] =	vst v60;
	v62 =	vadd.f32 v4, v9  }
0x10c: {  	[tilespmem:s7+$0xFFFFFFD0] =	vst v61;
	v63 =	vadd.f32 v2, v11  }
0x10d: {  	s4 =	simm.s32 $0x1830;
	s5 =	simm.s32 $0x6440;
	s6 =	simm.s32 $0x1840;
	[tilespmem:s7+$0xFFFFFFE0] =	vst v62  }
0x10e: {  	s8 =	simm.s32 $0x30C0;
	s9 =	simm.s32 $0x4980;
	[tilespmem:s7+$0xFFFFFFF0] =	vst v63;
	s7 =	simm.s32 $0x4940  }
.LBB2_7:
0x10f: {  	v0 =	vld [tilespmem:s8+$0x0];
	_ =	sdelay $0x7  }
0x110: {  	v0 =	vld.idx.msk [tilespmem:v0+s9+$0x0], $0xffff;
	_ =	sdelay $0x3  }
0x111: {  	v1 =	vld [tilespmem:s7+$0x0]  }
0x112: {  	v0 =	vtrunc.f32 v0  }
0x113: {  	v0 =	vcvt.f32.s32 v0;
	_ =	sdelay $0x1  }
0x114: {  	v0 =	vshll.u32 v0, $0x4  }
0x115: {  	v0 =	vadd.s32 v1, v0  }
0x116: {  	v1 =	vadd.s32 $0x200, v0;
	_ =	sdelay $0x1  }
0x117: {  	v0 =	vadd.s32 $0x240, v0;
	_ =	sdelay $0x1  }
0x118: {  	v2 =	vld [tilespmem:s6+$0x0]  }
0x119: {  	v1 =	vld.idx.msk [tilespmem:v1+s9+$0x0], $0xffff;
	_ =	sdelay $0x1  }
0x11a: {  	v0 =	vld.idx.msk [tilespmem:v0+s9+$0x0], $0xffff  }
0x11b: {  	s4 =	sadd.s32 $0x10, s4  }
0x11c: {  	p0 =	slt.u32 s4, $0x1870  }
.Ltmp3:
0x11d: {  	v1 =	vmul.f32 v2, v1;
	(pc) =	sbr.rel @p0 .LBB2_7-.Ltmp3, $4  }
0x11e: {  	_ = 	snop  }
0x11f: {  	v0 =	vadd.f32 v1, v0  }
0x120: {  	s6 =	sadd.s32 $0x10, s6  }
0x121: {  	s7 =	sadd.s32 $0x10, s7;
	s8 =	sadd.s32 $0x10, s8;
	[tilespmem:s5+$0x0] =	vst v0;
	s5 =	sadd.s32 $0x10, s5  }
0x122: {  	s2 =	sadd.s32 s3, s2  }
0x123: {  	s30 =	simm.s32 $0x0;
	s4 =	simm.s32 $0x5840;
	s31 =	simm.s32 $0x3  }
0x124: {  	[hbm4b:s2+s30] =	stream.linear.scatter [tilespmem:s4], [sflag:$0x3], $0xC40, $0x38;
	[tilespmem:$0x6480] =	vst v63  }
0x125: {  	_ =	swait.ge [sflag:s31], $0xC40  }
0x126: {  	[sflag:s31] =	ssyncset.done $0x0  }
0x127: {  	[sflag:s31] =	ssyncadd.s32 $0xFFFFF3C0  }
0x128: {  	_ =	swait.ge [sflag:s31], $0xC40  }
0x129: {  	[sflag:s31] =	ssyncset.done $0x0  }
0x12a: {  	[sflag:s31] =	ssyncadd.s32 $0xFFFFF3C0  }
0x12b: {  	_ =	sfence.sel $0x180000  }
0x12c: {  	[bflag:$0x0] =	sbarrier.arrive $0xFFFF  }
0x12d: {  	p0 =	sne.s32 s0, $0x0;
	_ =	strace $0x90000047  }
0x12e: {  	s0 =	sadd.s32 @!p0 $0x100000, s1;
	[bflag:$0x2] =	sbarrier.arrive $0xFFFF  }
0x12f: {  	[sflag:s0] =	ssyncadd.tile.s32 @!p0 $0x1;
	_ =	shalt  }
.Lfunc_end2:
_tile_overlayer_lowered:
.L_overlay_start_2:
0x130: {  	(tag) =	ssettag $0x2  }
0x131: {  	s0 =	rddreg [dreg:$0x0];
	s2 =	stileid.u32  }
0x132: {  	s1 =	rddreg [dreg:$0x1];
	p0 =	sne.s32 s2, $0x0  }
0x133: {  	s3 =	rddreg [dreg:$0x2];
	[bflag:$0x3] =	sbarrier.arrive $0xFFFF;
	s2 =	simm.s32 @!p0 $0x1C04  }
0x134: {  	[timem:s3], [sflag:s2] =	dma.local @!p0 [hbm:s0], s1  }
0x135: {  	s0 =	simm.s32 @!p0 $0x4  }
0x136: {  	_ =	swait.ge @!p0 [sflag:s0], s1  }
0x137: {  	s1 =	ssub.s32 @!p0 $0x0, s1;
	[sflag:s0] =	ssyncset.done @!p0 $0x0  }
0x138: {  	[sflag:s0] =	ssyncadd.s32 @!p0 s1  }
0x139: {  	[bflag:$0x3] =	sbarrier.arrive $0xFFFF  }
0x13a: {  	_ =	shalt  }

</sc_bundles>
